<compile_context>
chip_gen: v7x
topology: tpu7x:2x2x1
jax: 0.10.2.dev20260603
libtpu: 0.0.44.dev20260713+nightly
codegen_flags: <defaults>
</compile_context>

<pallas_src>
import functools

import jax
import jax.numpy as jnp
from jax import lax
from jax.experimental import pallas as pl
from jax.experimental.pallas import tpu as pltpu
from jax.experimental.pallas import tpu_sc as plsc

H = 8
NC = 2
NS = 16
NW = NC * NS
CH_T = 25
CHUNK = CH_T * 128
CHUNK_OUT = CHUNK * H
MAX_SLOTS = 64


def _sc_lookup(e_total):
    n_chunks = e_total // CHUNK
    assert n_chunks * CHUNK == e_total
    assert n_chunks <= NW * MAX_SLOTS
    mesh = plsc.VectorSubcoreMesh(core_axis_name="c", subcore_axis_name="s")

    @functools.partial(
        pl.kernel,
        out_type=jax.ShapeDtypeStruct((e_total * H,), jnp.float32),
        mesh=mesh,
        compiler_params=pltpu.CompilerParams(
            needs_layout_passes=False, use_tc_tiling_on_sc=False),
        scratch_types=[
            pltpu.VMEM((CHUNK,), jnp.int32),
            pltpu.VMEM((CHUNK,), jnp.int32),
            pltpu.VMEM((CHUNK_OUT,), jnp.float32),
            pltpu.VMEM((CHUNK_OUT,), jnp.float32),
            pltpu.VMEM((48,), jnp.float32),
            pltpu.SemaphoreType.DMA,
            pltpu.SemaphoreType.DMA,
            pltpu.SemaphoreType.DMA,
            pltpu.SemaphoreType.DMA,
        ],
    )
    def body(ids_hbm, bias_hbm, out_hbm, ids_v0, ids_v1, out_v0, out_v1,
             bias_v, in_sem0, in_sem1, out_sem0, out_sem1):
        c_ax = lax.axis_index("c")
        s_ax = lax.axis_index("s")
        wid = s_ax * NC + c_ax
        in_sems = (in_sem0, in_sem1)
        out_sems = (out_sem0, out_sem1)
        ids_bufs = (ids_v0, ids_v1)
        out_bufs = (out_v0, out_v1)
        pltpu.sync_copy(bias_hbm, bias_v)

        def ids_copy(ci, b):
            return pltpu.make_async_copy(
                ids_hbm.at[pl.ds(ci * CHUNK, CHUNK)], ids_bufs[b], in_sems[b])

        def out_copy(ci, b):
            return pltpu.make_async_copy(
                out_bufs[b],
                out_hbm.at[pl.ds(ci * CHUNK_OUT, CHUNK_OUT)], out_sems[b])

        ids_copy(wid, 0).start()
        ids_copy(wid + NW, 1).start()

        def two_slots(i, carry):
            for b in range(2):
                j = i * 2 + b
                ci = wid + j * NW

                @pl.when(ci < n_chunks)
                def _():
                    ids_copy(ci, b).wait()
                    @pl.when(j >= 2)
                    def _():
                        out_copy(ci, b).wait()

                    idsb = ids_bufs[b]
                    outb = out_bufs[b]

                    @plsc.parallel_loop(0, CHUNK // 16, unroll=1)
                    def _(k):
                        v8 = idsb[pl.ds(k * 16, 16)] * H
                        off = (k // 8) * 1024 + (k % 8) * 16
                        for h in range(H):
                            outb[pl.ds(off + h * 128, 16)] = plsc.load_gather(
                                bias_v, [v8 + h])

                    out_copy(ci, b).start()

                    @pl.when(ci + 2 * NW < n_chunks)
                    def _():
                        ids_copy(ci + 2 * NW, b).start()
            return carry

        lax.fori_loop(0, MAX_SLOTS // 2, two_slots, 0)
        out_copy(wid, 0).wait()
        out_copy(wid, 1).wait()

    return body


def kernel(band_ids, bias):
    e_total = band_ids.shape[0]
    ids = band_ids.astype(jnp.int32)
    bias_flat = jnp.pad(bias.reshape(-1).astype(jnp.float32), (0, 8))
    flat = _sc_lookup(e_total)(ids, bias_flat)
    tiles = flat.reshape(e_total // 128, H, 128)
    return tiles.transpose(0, 2, 1).reshape(e_total, H)

# --- scband reference (transcript-rebuilt; emitter-appended) ---
"""Pipeline reference for scband-band-specific-attention-bias-52055003627702 (READ-ONLY COPY).

The authoritative reference and input builder live on the scoring server;
editing this copy changes nothing except your own understanding.
"""

import jax, jax.numpy as jnp
import numpy as np

N_BANDS = 5
N_HEADS = 8
E = 6400000

def setup_inputs(seed: int = 0) -> dict:
    key = jax.random.key(seed)
    k1, k2 = jax.random.split(key)
    band_ids = jax.random.randint(k1, (E,), 0, N_BANDS, dtype=jnp.int64) if jax.config.jax_enable_x64 else jax.random.randint(k1, (E,), 0, N_BANDS, dtype=jnp.int32)
    bias = jax.random.normal(k2, (N_BANDS, N_HEADS), dtype=jnp.float32) * 0.02
    return {"band_ids": band_ids, "bias": bias}

def reference(band_ids, bias):
    # Faithful translation of BandSpecificAttentionBias.forward: self.bias[band_ids]
    return jnp.take(bias, band_ids, axis=0)

if __name__ == "__main__":
    import jax
    _d = setup_inputs()
    print(jax.jit(kernel)(*tuple(_d.values())))

</pallas_src>

<mosaic_0001>
#map = affine_map<(d0, d1) -> (0)>
module attributes {stable_mosaic.version = 14 : i64} {
  func.func @body(%arg0: i32, %arg1: i32, %arg2: memref<6400000xi32, #tpu.memory_space<hbm>>, %arg3: memref<48xf32, #tpu.memory_space<hbm>>, %arg4: memref<51200000xf32, #tpu.memory_space<hbm>>, %arg5: memref<3200xi32, #tpu.memory_space<vmem>>, %arg6: memref<3200xi32, #tpu.memory_space<vmem>>, %arg7: memref<25600xf32, #tpu.memory_space<vmem>>, %arg8: memref<25600xf32, #tpu.memory_space<vmem>>, %arg9: memref<48xf32, #tpu.memory_space<vmem>>, %arg10: memref<!tpu.dma_semaphore, #tpu.memory_space<semaphore_mem>>, %arg11: memref<!tpu.dma_semaphore, #tpu.memory_space<semaphore_mem>>, %arg12: memref<!tpu.dma_semaphore, #tpu.memory_space<semaphore_mem>>, %arg13: memref<!tpu.dma_semaphore, #tpu.memory_space<semaphore_mem>>) attributes {dimension_semantics = [#tpu.dimension_semantics<core_parallel>, #tpu.dimension_semantics<subcore_parallel>], iteration_bounds = array<i64: 2, 16>, scalar_prefetch = 0 : i64, scratch_operands = 9 : i64, tpu.core_type = #tpu.core_type<sc_vector_subcore>, window_params = [{transform_indices = #map}, {transform_indices = #map}, {transform_indices = #map}]} {
    %mul3A = arith.constant 2 : i32
    %mul3A_0 = arith.muli %arg1, %mul3A : i32
    %add3A = arith.addi %mul3A_0, %arg0 : i32
    "tpu.region"() ({
      %run_scoped3A = tpu.sem_alloc : memref<!tpu.dma_semaphore, #tpu.memory_space<semaphore_mem>>
      tpu.enqueue_dma source(%arg3 : memref<48xf32, #tpu.memory_space<hbm>>) target(%arg9 : memref<48xf32, #tpu.memory_space<vmem>>) target_semaphore(%run_scoped3A : memref<!tpu.dma_semaphore, #tpu.memory_space<semaphore_mem>>)
      tpu.wait_dma2 semaphore(%run_scoped3A : memref<!tpu.dma_semaphore, #tpu.memory_space<semaphore_mem>>) src(%arg3 : memref<48xf32, #tpu.memory_space<hbm>>) dst(%arg9 : memref<48xf32, #tpu.memory_space<vmem>>)
      tpu.yield
    }) : () -> ()
    %mul3A_1 = arith.constant 3200 : i32
    %mul3A_2 = arith.muli %add3A, %mul3A_1 : i32
    %dma_start3A = tpu.memref_slice %arg2[%mul3A_2] : memref<6400000xi32, #tpu.memory_space<hbm>> -> memref<3200xi32, #tpu.memory_space<hbm>>
    %dma_start3A_3 = tpu.memref_slice %arg2[%mul3A_2] : memref<6400000xi32, #tpu.memory_space<hbm>> -> memref<3200xi32, #tpu.memory_space<hbm>>
    tpu.enqueue_dma source(%dma_start3A_3 : memref<3200xi32, #tpu.memory_space<hbm>>) target(%arg5 : memref<3200xi32, #tpu.memory_space<vmem>>) target_semaphore(%arg10 : memref<!tpu.dma_semaphore, #tpu.memory_space<semaphore_mem>>)
    %add3A_4 = arith.constant 32 : i32
    %add3A_5 = arith.addi %add3A, %add3A_4 : i32
    %mul3A_6 = arith.constant 3200 : i32
    %mul3A_7 = arith.muli %add3A_5, %mul3A_6 : i32
    %dma_start3A_8 = tpu.memref_slice %arg2[%mul3A_7] : memref<6400000xi32, #tpu.memory_space<hbm>> -> memref<3200xi32, #tpu.memory_space<hbm>>
    %dma_start3A_9 = tpu.memref_slice %arg2[%mul3A_7] : memref<6400000xi32, #tpu.memory_space<hbm>> -> memref<3200xi32, #tpu.memory_space<hbm>>
    tpu.enqueue_dma source(%dma_start3A_9 : memref<3200xi32, #tpu.memory_space<hbm>>) target(%arg6 : memref<3200xi32, #tpu.memory_space<vmem>>) target_semaphore(%arg11 : memref<!tpu.dma_semaphore, #tpu.memory_space<semaphore_mem>>)
    %scan3A = arith.constant 0 : i32
    %scan3A_10 = arith.constant 0 : i32
    %scan3A_11 = arith.constant 32 : i32
    %scan3A_12 = arith.addi %scan3A_10, %scan3A_11 : i32
    %scan3A_13 = arith.constant 1 : i32
    scf.for %scan3A_22 = %scan3A_10 to %scan3A_12 step %scan3A_13  : i32 {
      %mul3A_23 = arith.constant 2 : i32
      %mul3A_24 = arith.muli %scan3A_22, %mul3A_23 : i32
      %add3A_25 = arith.constant 0 : i32
      %add3A_26 = arith.addi %mul3A_24, %add3A_25 : i32
      %mul3A_27 = arith.constant 32 : i32
      %mul3A_28 = arith.muli %add3A_26, %mul3A_27 : i32
      %add3A_29 = arith.addi %add3A, %mul3A_28 : i32
      %lt3A = arith.constant 2000 : i32
      %lt3A_30 = arith.cmpi slt, %add3A_29, %lt3A : i32
      %convert_element_type3A = arith.extui %lt3A_30 : i1 to i32
      %cond3A = arith.constant 0 : i32
      %cond3A_31 = arith.cmpi ne, %convert_element_type3A, %cond3A : i32
      scf.if %cond3A_31 {
        %mul3A_44 = arith.constant 3200 : i32
        %mul3A_45 = arith.muli %add3A_29, %mul3A_44 : i32
        %dma_wait3A_46 = tpu.memref_slice %arg2[%mul3A_45] : memref<6400000xi32, #tpu.memory_space<hbm>> -> memref<3200xi32, #tpu.memory_space<hbm>>
        %dma_wait3A_47 = tpu.memref_slice %arg2[%mul3A_45] : memref<6400000xi32, #tpu.memory_space<hbm>> -> memref<3200xi32, #tpu.memory_space<hbm>>
        tpu.wait_dma2 semaphore(%arg10 : memref<!tpu.dma_semaphore, #tpu.memory_space<semaphore_mem>>) src(%dma_wait3A_47 : memref<3200xi32, #tpu.memory_space<hbm>>) dst(%arg5 : memref<3200xi32, #tpu.memory_space<vmem>>)
        %ge3A = arith.constant 2 : i32
        %ge3A_48 = arith.cmpi sge, %add3A_26, %ge3A : i32
        %convert_element_type3A_49 = arith.extui %ge3A_48 : i1 to i32
        %cond3A_50 = arith.constant 0 : i32
        %cond3A_51 = arith.cmpi ne, %convert_element_type3A_49, %cond3A_50 : i32
        scf.if %cond3A_51 {
          %mul3A_65 = arith.constant 25600 : i32
          %mul3A_66 = arith.muli %add3A_29, %mul3A_65 : i32
          %dma_wait3A_67 = tpu.memref_slice %arg4[%mul3A_66] : memref<51200000xf32, #tpu.memory_space<hbm>> -> memref<25600xf32, #tpu.memory_space<hbm>>
          %dma_wait3A_68 = tpu.memref_slice %arg4[%mul3A_66] : memref<51200000xf32, #tpu.memory_space<hbm>> -> memref<25600xf32, #tpu.memory_space<hbm>>
          tpu.wait_dma2 semaphore(%arg12 : memref<!tpu.dma_semaphore, #tpu.memory_space<semaphore_mem>>) src(%arg7 : memref<25600xf32, #tpu.memory_space<vmem>>) dst(%dma_wait3A_68 : memref<25600xf32, #tpu.memory_space<hbm>>)
        } else {
        }
        %parallel_loop3A = arith.constant 0 : i32
        %parallel_loop3A_52 = arith.constant 200 : i32
        %parallel_loop3A_53 = arith.constant 1 : i32
        scf.for %parallel_loop3A_65 = %parallel_loop3A to %parallel_loop3A_52 step %parallel_loop3A_53  : i32 {
          %parallel_loop3A_66 = arith.constant 16 : i32
          %parallel_loop3A_67 = arith.muli %parallel_loop3A_65, %parallel_loop3A_66 : i32
          %parallel_loop3A_68 = arith.index_cast %parallel_loop3A_67 : i32 to index
          %parallel_loop3A_69 = tpu.vector_load %arg5[%parallel_loop3A_68] {strides = array<i32>} : memref<3200xi32, #tpu.memory_space<vmem>>, vector<16xi32>,
          %parallel_loop3A_70 = arith.constant 8 : i32
          %parallel_loop3A_71 = vector.broadcast %parallel_loop3A_70 : i32 to vector<16xi32>
          %parallel_loop3A_72 = arith.muli %parallel_loop3A_69, %parallel_loop3A_71 : vector<16xi32>
          %parallel_loop3A_73 = arith.constant 8 : i32
          %parallel_loop3A_74 = arith.divsi %parallel_loop3A_65, %parallel_loop3A_73 : i32
          %parallel_loop3A_75 = arith.constant 0 : i32
          %parallel_loop3A_76 = arith.cmpi sgt, %parallel_loop3A_65, %parallel_loop3A_75 : i32
          %parallel_loop3A_77 = arith.extui %parallel_loop3A_76 : i1 to i32
          %parallel_loop3A_78 = arith.constant 0 : i32
          %parallel_loop3A_79 = arith.cmpi slt, %parallel_loop3A_65, %parallel_loop3A_78 : i32
          %parallel_loop3A_80 = arith.extui %parallel_loop3A_79 : i1 to i32
          %parallel_loop3A_81 = arith.subi %parallel_loop3A_77, %parallel_loop3A_80 : i32
          %parallel_loop3A_82 = arith.constant 0 : i32
          %parallel_loop3A_83 = arith.cmpi sgt, %parallel_loop3A_73, %parallel_loop3A_82 : i32
          %parallel_loop3A_84 = arith.extui %parallel_loop3A_83 : i1 to i32
          %parallel_loop3A_85 = arith.constant 0 : i32
          %parallel_loop3A_86 = arith.cmpi slt, %parallel_loop3A_73, %parallel_loop3A_85 : i32
          %parallel_loop3A_87 = arith.extui %parallel_loop3A_86 : i1 to i32
          %parallel_loop3A_88 = arith.subi %parallel_loop3A_84, %parallel_loop3A_87 : i32
          %parallel_loop3A_89 = arith.cmpi ne, %parallel_loop3A_81, %parallel_loop3A_88 : i32
          %parallel_loop3A_90 = arith.remsi %parallel_loop3A_65, %parallel_loop3A_73 : i32
          %parallel_loop3A_91 = arith.constant 0 : i32
          %parallel_loop3A_92 = arith.cmpi ne, %parallel_loop3A_90, %parallel_loop3A_91 : i32
          %parallel_loop3A_93 = arith.andi %parallel_loop3A_89, %parallel_loop3A_92 : i1
          %parallel_loop3A_94 = arith.constant 1 : i32
          %parallel_loop3A_95 = arith.subi %parallel_loop3A_74, %parallel_loop3A_94 : i32
          %parallel_loop3A_96 = arith.select %parallel_loop3A_93, %parallel_loop3A_95, %parallel_loop3A_74 : i32
          %parallel_loop3A_97 = arith.constant 1024 : i32
          %parallel_loop3A_98 = arith.muli %parallel_loop3A_96, %parallel_loop3A_97 : i32
          %parallel_loop3A_99 = arith.constant 8 : i32
          %parallel_loop3A_100 = arith.constant 0 : i32
          %parallel_loop3A_101 = arith.cmpi eq, %parallel_loop3A_99, %parallel_loop3A_100 : i32
          %parallel_loop3A_102 = arith.constant 1 : i32
          %parallel_loop3A_103 = arith.select %parallel_loop3A_101, %parallel_loop3A_102, %parallel_loop3A_99 : i32
          %parallel_loop3A_104 = arith.remsi %parallel_loop3A_65, %parallel_loop3A_103 : i32
          %parallel_loop3A_105 = arith.constant 0 : i32
          %parallel_loop3A_106 = arith.cmpi ne, %parallel_loop3A_104, %parallel_loop3A_105 : i32
          %parallel_loop3A_107 = arith.constant 0 : i32
          %parallel_loop3A_108 = arith.cmpi slt, %parallel_loop3A_104, %parallel_loop3A_107 : i32
          %parallel_loop3A_109 = arith.constant 0 : i32
          %parallel_loop3A_110 = arith.cmpi slt, %parallel_loop3A_103, %parallel_loop3A_109 : i32
          %parallel_loop3A_111 = arith.xori %parallel_loop3A_108, %parallel_loop3A_110 : i1
          %parallel_loop3A_112 = arith.andi %parallel_loop3A_111, %parallel_loop3A_106 : i1
          %parallel_loop3A_113 = arith.addi %parallel_loop3A_104, %parallel_loop3A_103 : i32
          %parallel_loop3A_114 = arith.select %parallel_loop3A_112, %parallel_loop3A_113, %parallel_loop3A_104 : i32
          %parallel_loop3A_115 = arith.constant 16 : i32
          %parallel_loop3A_116 = arith.muli %parallel_loop3A_114, %parallel_loop3A_115 : i32
          %parallel_loop3A_117 = arith.addi %parallel_loop3A_98, %parallel_loop3A_116 : i32
          %parallel_loop3A_118 = arith.constant 0 : i32
          %parallel_loop3A_119 = vector.broadcast %parallel_loop3A_118 : i32 to vector<16xi32>
          %parallel_loop3A_120 = arith.addi %parallel_loop3A_72, %parallel_loop3A_119 : vector<16xi32>
          %parallel_loop3A_121 = tpu.vector_load_idx %arg9[%parallel_loop3A_120] : memref<48xf32, #tpu.memory_space<vmem>>[vector<16xi32>], vector<16xf32>,
          %parallel_loop3A_122 = arith.constant 0 : i32
          %parallel_loop3A_123 = arith.addi %parallel_loop3A_117, %parallel_loop3A_122 : i32
          %parallel_loop3A_124 = arith.index_cast %parallel_loop3A_123 : i32 to index
          %parallel_loop3A_125 = tpu.vector_load %arg7[%parallel_loop3A_124] {strides = array<i32>} : memref<25600xf32, #tpu.memory_space<vmem>>, vector<16xf32>,
          tpu.vector_store %arg7[%parallel_loop3A_124], %parallel_loop3A_121 {strides = array<i32>} : memref<25600xf32, #tpu.memory_space<vmem>>, vector<16xf32>,
          %parallel_loop3A_126 = arith.constant 1 : i32
          %parallel_loop3A_127 = vector.broadcast %parallel_loop3A_126 : i32 to vector<16xi32>
          %parallel_loop3A_128 = arith.addi %parallel_loop3A_72, %parallel_loop3A_127 : vector<16xi32>
          %parallel_loop3A_129 = tpu.vector_load_idx %arg9[%parallel_loop3A_128] : memref<48xf32, #tpu.memory_space<vmem>>[vector<16xi32>], vector<16xf32>,
          %parallel_loop3A_130 = arith.constant 128 : i32
          %parallel_loop3A_131 = arith.addi %parallel_loop3A_117, %parallel_loop3A_130 : i32
          %parallel_loop3A_132 = arith.index_cast %parallel_loop3A_131 : i32 to index
          %parallel_loop3A_133 = tpu.vector_load %arg7[%parallel_loop3A_132] {strides = array<i32>} : memref<25600xf32, #tpu.memory_space<vmem>>, vector<16xf32>,
          tpu.vector_store %arg7[%parallel_loop3A_132], %parallel_loop3A_129 {strides = array<i32>} : memref<25600xf32, #tpu.memory_space<vmem>>, vector<16xf32>,
          %parallel_loop3A_134 = arith.constant 2 : i32
          %parallel_loop3A_135 = vector.broadcast %parallel_loop3A_134 : i32 to vector<16xi32>
          %parallel_loop3A_136 = arith.addi %parallel_loop3A_72, %parallel_loop3A_135 : vector<16xi32>
          %parallel_loop3A_137 = tpu.vector_load_idx %arg9[%parallel_loop3A_136] : memref<48xf32, #tpu.memory_space<vmem>>[vector<16xi32>], vector<16xf32>,
          %parallel_loop3A_138 = arith.constant 256 : i32
          %parallel_loop3A_139 = arith.addi %parallel_loop3A_117, %parallel_loop3A_138 : i32
          %parallel_loop3A_140 = arith.index_cast %parallel_loop3A_139 : i32 to index
          %parallel_loop3A_141 = tpu.vector_load %arg7[%parallel_loop3A_140] {strides = array<i32>} : memref<25600xf32, #tpu.memory_space<vmem>>, vector<16xf32>,
          tpu.vector_store %arg7[%parallel_loop3A_140], %parallel_loop3A_137 {strides = array<i32>} : memref<25600xf32, #tpu.memory_space<vmem>>, vector<16xf32>,
          %parallel_loop3A_142 = arith.constant 3 : i32
          %parallel_loop3A_143 = vector.broadcast %parallel_loop3A_142 : i32 to vector<16xi32>
          %parallel_loop3A_144 = arith.addi %parallel_loop3A_72, %parallel_loop3A_143 : vector<16xi32>
          %parallel_loop3A_145 = tpu.vector_load_idx %arg9[%parallel_loop3A_144] : memref<48xf32, #tpu.memory_space<vmem>>[vector<16xi32>], vector<16xf32>,
          %parallel_loop3A_146 = arith.constant 384 : i32
          %parallel_loop3A_147 = arith.addi %parallel_loop3A_117, %parallel_loop3A_146 : i32
          %parallel_loop3A_148 = arith.index_cast %parallel_loop3A_147 : i32 to index
          %parallel_loop3A_149 = tpu.vector_load %arg7[%parallel_loop3A_148] {strides = array<i32>} : memref<25600xf32, #tpu.memory_space<vmem>>, vector<16xf32>,
          tpu.vector_store %arg7[%parallel_loop3A_148], %parallel_loop3A_145 {strides = array<i32>} : memref<25600xf32, #tpu.memory_space<vmem>>, vector<16xf32>,
          %parallel_loop3A_150 = arith.constant 4 : i32
          %parallel_loop3A_151 = vector.broadcast %parallel_loop3A_150 : i32 to vector<16xi32>
          %parallel_loop3A_152 = arith.addi %parallel_loop3A_72, %parallel_loop3A_151 : vector<16xi32>
          %parallel_loop3A_153 = tpu.vector_load_idx %arg9[%parallel_loop3A_152] : memref<48xf32, #tpu.memory_space<vmem>>[vector<16xi32>], vector<16xf32>,
          %parallel_loop3A_154 = arith.constant 512 : i32
          %parallel_loop3A_155 = arith.addi %parallel_loop3A_117, %parallel_loop3A_154 : i32
          %parallel_loop3A_156 = arith.index_cast %parallel_loop3A_155 : i32 to index
          %parallel_loop3A_157 = tpu.vector_load %arg7[%parallel_loop3A_156] {strides = array<i32>} : memref<25600xf32, #tpu.memory_space<vmem>>, vector<16xf32>,
          tpu.vector_store %arg7[%parallel_loop3A_156], %parallel_loop3A_153 {strides = array<i32>} : memref<25600xf32, #tpu.memory_space<vmem>>, vector<16xf32>,
          %parallel_loop3A_158 = arith.constant 5 : i32
          %parallel_loop3A_159 = vector.broadcast %parallel_loop3A_158 : i32 to vector<16xi32>
          %parallel_loop3A_160 = arith.addi %parallel_loop3A_72, %parallel_loop3A_159 : vector<16xi32>
          %parallel_loop3A_161 = tpu.vector_load_idx %arg9[%parallel_loop3A_160] : memref<48xf32, #tpu.memory_space<vmem>>[vector<16xi32>], vector<16xf32>,
          %parallel_loop3A_162 = arith.constant 640 : i32
          %parallel_loop3A_163 = arith.addi %parallel_loop3A_117, %parallel_loop3A_162 : i32
          %parallel_loop3A_164 = arith.index_cast %parallel_loop3A_163 : i32 to index
          %parallel_loop3A_165 = tpu.vector_load %arg7[%parallel_loop3A_164] {strides = array<i32>} : memref<25600xf32, #tpu.memory_space<vmem>>, vector<16xf32>,
          tpu.vector_store %arg7[%parallel_loop3A_164], %parallel_loop3A_161 {strides = array<i32>} : memref<25600xf32, #tpu.memory_space<vmem>>, vector<16xf32>,
          %parallel_loop3A_166 = arith.constant 6 : i32
          %parallel_loop3A_167 = vector.broadcast %parallel_loop3A_166 : i32 to vector<16xi32>
          %parallel_loop3A_168 = arith.addi %parallel_loop3A_72, %parallel_loop3A_167 : vector<16xi32>
          %parallel_loop3A_169 = tpu.vector_load_idx %arg9[%parallel_loop3A_168] : memref<48xf32, #tpu.memory_space<vmem>>[vector<16xi32>], vector<16xf32>,
          %parallel_loop3A_170 = arith.constant 768 : i32
          %parallel_loop3A_171 = arith.addi %parallel_loop3A_117, %parallel_loop3A_170 : i32
          %parallel_loop3A_172 = arith.index_cast %parallel_loop3A_171 : i32 to index
          %parallel_loop3A_173 = tpu.vector_load %arg7[%parallel_loop3A_172] {strides = array<i32>} : memref<25600xf32, #tpu.memory_space<vmem>>, vector<16xf32>,
          tpu.vector_store %arg7[%parallel_loop3A_172], %parallel_loop3A_169 {strides = array<i32>} : memref<25600xf32, #tpu.memory_space<vmem>>, vector<16xf32>,
          %parallel_loop3A_174 = arith.constant 7 : i32
          %parallel_loop3A_175 = vector.broadcast %parallel_loop3A_174 : i32 to vector<16xi32>
          %parallel_loop3A_176 = arith.addi %parallel_loop3A_72, %parallel_loop3A_175 : vector<16xi32>
          %parallel_loop3A_177 = tpu.vector_load_idx %arg9[%parallel_loop3A_176] : memref<48xf32, #tpu.memory_space<vmem>>[vector<16xi32>], vector<16xf32>,
          %parallel_loop3A_178 = arith.constant 896 : i32
          %parallel_loop3A_179 = arith.addi %parallel_loop3A_117, %parallel_loop3A_178 : i32
          %parallel_loop3A_180 = arith.index_cast %parallel_loop3A_179 : i32 to index
          %parallel_loop3A_181 = tpu.vector_load %arg7[%parallel_loop3A_180] {strides = array<i32>} : memref<25600xf32, #tpu.memory_space<vmem>>, vector<16xf32>,
          tpu.vector_store %arg7[%parallel_loop3A_180], %parallel_loop3A_177 {strides = array<i32>} : memref<25600xf32, #tpu.memory_space<vmem>>, vector<16xf32>,
        } {sc.loop_unroll_factor = 1 : i64, sc.parallel_access}
        %mul3A_54 = arith.constant 25600 : i32
        %mul3A_55 = arith.muli %add3A_29, %mul3A_54 : i32
        %dma_start3A_56 = tpu.memref_slice %arg4[%mul3A_55] : memref<51200000xf32, #tpu.memory_space<hbm>> -> memref<25600xf32, #tpu.memory_space<hbm>>
        %dma_start3A_57 = tpu.memref_slice %arg4[%mul3A_55] : memref<51200000xf32, #tpu.memory_space<hbm>> -> memref<25600xf32, #tpu.memory_space<hbm>>
        tpu.enqueue_dma source(%arg7 : memref<25600xf32, #tpu.memory_space<vmem>>) target(%dma_start3A_57 : memref<25600xf32, #tpu.memory_space<hbm>>) target_semaphore(%arg12 : memref<!tpu.dma_semaphore, #tpu.memory_space<semaphore_mem>>)
        %add3A_58 = arith.constant 64 : i32
        %add3A_59 = arith.addi %add3A_29, %add3A_58 : i32
        %lt3A_60 = arith.constant 2000 : i32
        %lt3A_61 = arith.cmpi slt, %add3A_59, %lt3A_60 : i32
        %convert_element_type3A_62 = arith.extui %lt3A_61 : i1 to i32
        %cond3A_63 = arith.constant 0 : i32
        %cond3A_64 = arith.cmpi ne, %convert_element_type3A_62, %cond3A_63 : i32
        scf.if %cond3A_64 {
          %add3A_65 = arith.constant 64 : i32
          %add3A_66 = arith.addi %add3A_29, %add3A_65 : i32
          %mul3A_67 = arith.constant 3200 : i32
          %mul3A_68 = arith.muli %add3A_66, %mul3A_67 : i32
          %dma_start3A_69 = tpu.memref_slice %arg2[%mul3A_68] : memref<6400000xi32, #tpu.memory_space<hbm>> -> memref<3200xi32, #tpu.memory_space<hbm>>
          %dma_start3A_70 = tpu.memref_slice %arg2[%mul3A_68] : memref<6400000xi32, #tpu.memory_space<hbm>> -> memref<3200xi32, #tpu.memory_space<hbm>>
          tpu.enqueue_dma source(%dma_start3A_70 : memref<3200xi32, #tpu.memory_space<hbm>>) target(%arg5 : memref<3200xi32, #tpu.memory_space<vmem>>) target_semaphore(%arg10 : memref<!tpu.dma_semaphore, #tpu.memory_space<semaphore_mem>>)
        } else {
        }
      } else {
      }
      %mul3A_32 = arith.constant 2 : i32
      %mul3A_33 = arith.muli %scan3A_22, %mul3A_32 : i32
      %add3A_34 = arith.constant 1 : i32
      %add3A_35 = arith.addi %mul3A_33, %add3A_34 : i32
      %mul3A_36 = arith.constant 32 : i32
      %mul3A_37 = arith.muli %add3A_35, %mul3A_36 : i32
      %add3A_38 = arith.addi %add3A, %mul3A_37 : i32
      %lt3A_39 = arith.constant 2000 : i32
      %lt3A_40 = arith.cmpi slt, %add3A_38, %lt3A_39 : i32
      %convert_element_type3A_41 = arith.extui %lt3A_40 : i1 to i32
      %cond3A_42 = arith.constant 0 : i32
      %cond3A_43 = arith.cmpi ne, %convert_element_type3A_41, %cond3A_42 : i32
      scf.if %cond3A_43 {
        %mul3A_44 = arith.constant 3200 : i32
        %mul3A_45 = arith.muli %add3A_38, %mul3A_44 : i32
        %dma_wait3A_46 = tpu.memref_slice %arg2[%mul3A_45] : memref<6400000xi32, #tpu.memory_space<hbm>> -> memref<3200xi32, #tpu.memory_space<hbm>>
        %dma_wait3A_47 = tpu.memref_slice %arg2[%mul3A_45] : memref<6400000xi32, #tpu.memory_space<hbm>> -> memref<3200xi32, #tpu.memory_space<hbm>>
        tpu.wait_dma2 semaphore(%arg11 : memref<!tpu.dma_semaphore, #tpu.memory_space<semaphore_mem>>) src(%dma_wait3A_47 : memref<3200xi32, #tpu.memory_space<hbm>>) dst(%arg6 : memref<3200xi32, #tpu.memory_space<vmem>>)
        %ge3A = arith.constant 2 : i32
        %ge3A_48 = arith.cmpi sge, %add3A_35, %ge3A : i32
        %convert_element_type3A_49 = arith.extui %ge3A_48 : i1 to i32
        %cond3A_50 = arith.constant 0 : i32
        %cond3A_51 = arith.cmpi ne, %convert_element_type3A_49, %cond3A_50 : i32
        scf.if %cond3A_51 {
          %mul3A_65 = arith.constant 25600 : i32
          %mul3A_66 = arith.muli %add3A_38, %mul3A_65 : i32
          %dma_wait3A_67 = tpu.memref_slice %arg4[%mul3A_66] : memref<51200000xf32, #tpu.memory_space<hbm>> -> memref<25600xf32, #tpu.memory_space<hbm>>
          %dma_wait3A_68 = tpu.memref_slice %arg4[%mul3A_66] : memref<51200000xf32, #tpu.memory_space<hbm>> -> memref<25600xf32, #tpu.memory_space<hbm>>
          tpu.wait_dma2 semaphore(%arg13 : memref<!tpu.dma_semaphore, #tpu.memory_space<semaphore_mem>>) src(%arg8 : memref<25600xf32, #tpu.memory_space<vmem>>) dst(%dma_wait3A_68 : memref<25600xf32, #tpu.memory_space<hbm>>)
        } else {
        }
        %parallel_loop3A = arith.constant 0 : i32
        %parallel_loop3A_52 = arith.constant 200 : i32
        %parallel_loop3A_53 = arith.constant 1 : i32
        scf.for %parallel_loop3A_65 = %parallel_loop3A to %parallel_loop3A_52 step %parallel_loop3A_53  : i32 {
          %parallel_loop3A_66 = arith.constant 16 : i32
          %parallel_loop3A_67 = arith.muli %parallel_loop3A_65, %parallel_loop3A_66 : i32
          %parallel_loop3A_68 = arith.index_cast %parallel_loop3A_67 : i32 to index
          %parallel_loop3A_69 = tpu.vector_load %arg6[%parallel_loop3A_68] {strides = array<i32>} : memref<3200xi32, #tpu.memory_space<vmem>>, vector<16xi32>,
          %parallel_loop3A_70 = arith.constant 8 : i32
          %parallel_loop3A_71 = vector.broadcast %parallel_loop3A_70 : i32 to vector<16xi32>
          %parallel_loop3A_72 = arith.muli %parallel_loop3A_69, %parallel_loop3A_71 : vector<16xi32>
          %parallel_loop3A_73 = arith.constant 8 : i32
          %parallel_loop3A_74 = arith.divsi %parallel_loop3A_65, %parallel_loop3A_73 : i32
          %parallel_loop3A_75 = arith.constant 0 : i32
          %parallel_loop3A_76 = arith.cmpi sgt, %parallel_loop3A_65, %parallel_loop3A_75 : i32
          %parallel_loop3A_77 = arith.extui %parallel_loop3A_76 : i1 to i32
          %parallel_loop3A_78 = arith.constant 0 : i32
          %parallel_loop3A_79 = arith.cmpi slt, %parallel_loop3A_65, %parallel_loop3A_78 : i32
          %parallel_loop3A_80 = arith.extui %parallel_loop3A_79 : i1 to i32
          %parallel_loop3A_81 = arith.subi %parallel_loop3A_77, %parallel_loop3A_80 : i32
          %parallel_loop3A_82 = arith.constant 0 : i32
          %parallel_loop3A_83 = arith.cmpi sgt, %parallel_loop3A_73, %parallel_loop3A_82 : i32
          %parallel_loop3A_84 = arith.extui %parallel_loop3A_83 : i1 to i32
          %parallel_loop3A_85 = arith.constant 0 : i32
          %parallel_loop3A_86 = arith.cmpi slt, %parallel_loop3A_73, %parallel_loop3A_85 : i32
          %parallel_loop3A_87 = arith.extui %parallel_loop3A_86 : i1 to i32
          %parallel_loop3A_88 = arith.subi %parallel_loop3A_84, %parallel_loop3A_87 : i32
          %parallel_loop3A_89 = arith.cmpi ne, %parallel_loop3A_81, %parallel_loop3A_88 : i32
          %parallel_loop3A_90 = arith.remsi %parallel_loop3A_65, %parallel_loop3A_73 : i32
          %parallel_loop3A_91 = arith.constant 0 : i32
          %parallel_loop3A_92 = arith.cmpi ne, %parallel_loop3A_90, %parallel_loop3A_91 : i32
          %parallel_loop3A_93 = arith.andi %parallel_loop3A_89, %parallel_loop3A_92 : i1
          %parallel_loop3A_94 = arith.constant 1 : i32
          %parallel_loop3A_95 = arith.subi %parallel_loop3A_74, %parallel_loop3A_94 : i32
          %parallel_loop3A_96 = arith.select %parallel_loop3A_93, %parallel_loop3A_95, %parallel_loop3A_74 : i32
          %parallel_loop3A_97 = arith.constant 1024 : i32
          %parallel_loop3A_98 = arith.muli %parallel_loop3A_96, %parallel_loop3A_97 : i32
          %parallel_loop3A_99 = arith.constant 8 : i32
          %parallel_loop3A_100 = arith.constant 0 : i32
          %parallel_loop3A_101 = arith.cmpi eq, %parallel_loop3A_99, %parallel_loop3A_100 : i32
          %parallel_loop3A_102 = arith.constant 1 : i32
          %parallel_loop3A_103 = arith.select %parallel_loop3A_101, %parallel_loop3A_102, %parallel_loop3A_99 : i32
          %parallel_loop3A_104 = arith.remsi %parallel_loop3A_65, %parallel_loop3A_103 : i32
          %parallel_loop3A_105 = arith.constant 0 : i32
          %parallel_loop3A_106 = arith.cmpi ne, %parallel_loop3A_104, %parallel_loop3A_105 : i32
          %parallel_loop3A_107 = arith.constant 0 : i32
          %parallel_loop3A_108 = arith.cmpi slt, %parallel_loop3A_104, %parallel_loop3A_107 : i32
          %parallel_loop3A_109 = arith.constant 0 : i32
          %parallel_loop3A_110 = arith.cmpi slt, %parallel_loop3A_103, %parallel_loop3A_109 : i32
          %parallel_loop3A_111 = arith.xori %parallel_loop3A_108, %parallel_loop3A_110 : i1
          %parallel_loop3A_112 = arith.andi %parallel_loop3A_111, %parallel_loop3A_106 : i1
          %parallel_loop3A_113 = arith.addi %parallel_loop3A_104, %parallel_loop3A_103 : i32
          %parallel_loop3A_114 = arith.select %parallel_loop3A_112, %parallel_loop3A_113, %parallel_loop3A_104 : i32
          %parallel_loop3A_115 = arith.constant 16 : i32
          %parallel_loop3A_116 = arith.muli %parallel_loop3A_114, %parallel_loop3A_115 : i32
          %parallel_loop3A_117 = arith.addi %parallel_loop3A_98, %parallel_loop3A_116 : i32
          %parallel_loop3A_118 = arith.constant 0 : i32
          %parallel_loop3A_119 = vector.broadcast %parallel_loop3A_118 : i32 to vector<16xi32>
          %parallel_loop3A_120 = arith.addi %parallel_loop3A_72, %parallel_loop3A_119 : vector<16xi32>
          %parallel_loop3A_121 = tpu.vector_load_idx %arg9[%parallel_loop3A_120] : memref<48xf32, #tpu.memory_space<vmem>>[vector<16xi32>], vector<16xf32>,
          %parallel_loop3A_122 = arith.constant 0 : i32
          %parallel_loop3A_123 = arith.addi %parallel_loop3A_117, %parallel_loop3A_122 : i32
          %parallel_loop3A_124 = arith.index_cast %parallel_loop3A_123 : i32 to index
          %parallel_loop3A_125 = tpu.vector_load %arg8[%parallel_loop3A_124] {strides = array<i32>} : memref<25600xf32, #tpu.memory_space<vmem>>, vector<16xf32>,
          tpu.vector_store %arg8[%parallel_loop3A_124], %parallel_loop3A_121 {strides = array<i32>} : memref<25600xf32, #tpu.memory_space<vmem>>, vector<16xf32>,
          %parallel_loop3A_126 = arith.constant 1 : i32
          %parallel_loop3A_127 = vector.broadcast %parallel_loop3A_126 : i32 to vector<16xi32>
          %parallel_loop3A_128 = arith.addi %parallel_loop3A_72, %parallel_loop3A_127 : vector<16xi32>
          %parallel_loop3A_129 = tpu.vector_load_idx %arg9[%parallel_loop3A_128] : memref<48xf32, #tpu.memory_space<vmem>>[vector<16xi32>], vector<16xf32>,
          %parallel_loop3A_130 = arith.constant 128 : i32
          %parallel_loop3A_131 = arith.addi %parallel_loop3A_117, %parallel_loop3A_130 : i32
          %parallel_loop3A_132 = arith.index_cast %parallel_loop3A_131 : i32 to index
          %parallel_loop3A_133 = tpu.vector_load %arg8[%parallel_loop3A_132] {strides = array<i32>} : memref<25600xf32, #tpu.memory_space<vmem>>, vector<16xf32>,
          tpu.vector_store %arg8[%parallel_loop3A_132], %parallel_loop3A_129 {strides = array<i32>} : memref<25600xf32, #tpu.memory_space<vmem>>, vector<16xf32>,
          %parallel_loop3A_134 = arith.constant 2 : i32
          %parallel_loop3A_135 = vector.broadcast %parallel_loop3A_134 : i32 to vector<16xi32>
          %parallel_loop3A_136 = arith.addi %parallel_loop3A_72, %parallel_loop3A_135 : vector<16xi32>
          %parallel_loop3A_137 = tpu.vector_load_idx %arg9[%parallel_loop3A_136] : memref<48xf32, #tpu.memory_space<vmem>>[vector<16xi32>], vector<16xf32>,
          %parallel_loop3A_138 = arith.constant 256 : i32
          %parallel_loop3A_139 = arith.addi %parallel_loop3A_117, %parallel_loop3A_138 : i32
          %parallel_loop3A_140 = arith.index_cast %parallel_loop3A_139 : i32 to index
          %parallel_loop3A_141 = tpu.vector_load %arg8[%parallel_loop3A_140] {strides = array<i32>} : memref<25600xf32, #tpu.memory_space<vmem>>, vector<16xf32>,
          tpu.vector_store %arg8[%parallel_loop3A_140], %parallel_loop3A_137 {strides = array<i32>} : memref<25600xf32, #tpu.memory_space<vmem>>, vector<16xf32>,
          %parallel_loop3A_142 = arith.constant 3 : i32
          %parallel_loop3A_143 = vector.broadcast %parallel_loop3A_142 : i32 to vector<16xi32>
          %parallel_loop3A_144 = arith.addi %parallel_loop3A_72, %parallel_loop3A_143 : vector<16xi32>
          %parallel_loop3A_145 = tpu.vector_load_idx %arg9[%parallel_loop3A_144] : memref<48xf32, #tpu.memory_space<vmem>>[vector<16xi32>], vector<16xf32>,
          %parallel_loop3A_146 = arith.constant 384 : i32
          %parallel_loop3A_147 = arith.addi %parallel_loop3A_117, %parallel_loop3A_146 : i32
          %parallel_loop3A_148 = arith.index_cast %parallel_loop3A_147 : i32 to index
          %parallel_loop3A_149 = tpu.vector_load %arg8[%parallel_loop3A_148] {strides = array<i32>} : memref<25600xf32, #tpu.memory_space<vmem>>, vector<16xf32>,
          tpu.vector_store %arg8[%parallel_loop3A_148], %parallel_loop3A_145 {strides = array<i32>} : memref<25600xf32, #tpu.memory_space<vmem>>, vector<16xf32>,
          %parallel_loop3A_150 = arith.constant 4 : i32
          %parallel_loop3A_151 = vector.broadcast %parallel_loop3A_150 : i32 to vector<16xi32>
          %parallel_loop3A_152 = arith.addi %parallel_loop3A_72, %parallel_loop3A_151 : vector<16xi32>
          %parallel_loop3A_153 = tpu.vector_load_idx %arg9[%parallel_loop3A_152] : memref<48xf32, #tpu.memory_space<vmem>>[vector<16xi32>], vector<16xf32>,
          %parallel_loop3A_154 = arith.constant 512 : i32
          %parallel_loop3A_155 = arith.addi %parallel_loop3A_117, %parallel_loop3A_154 : i32
          %parallel_loop3A_156 = arith.index_cast %parallel_loop3A_155 : i32 to index
          %parallel_loop3A_157 = tpu.vector_load %arg8[%parallel_loop3A_156] {strides = array<i32>} : memref<25600xf32, #tpu.memory_space<vmem>>, vector<16xf32>,
          tpu.vector_store %arg8[%parallel_loop3A_156], %parallel_loop3A_153 {strides = array<i32>} : memref<25600xf32, #tpu.memory_space<vmem>>, vector<16xf32>,
          %parallel_loop3A_158 = arith.constant 5 : i32
          %parallel_loop3A_159 = vector.broadcast %parallel_loop3A_158 : i32 to vector<16xi32>
          %parallel_loop3A_160 = arith.addi %parallel_loop3A_72, %parallel_loop3A_159 : vector<16xi32>
          %parallel_loop3A_161 = tpu.vector_load_idx %arg9[%parallel_loop3A_160] : memref<48xf32, #tpu.memory_space<vmem>>[vector<16xi32>], vector<16xf32>,
          %parallel_loop3A_162 = arith.constant 640 : i32
          %parallel_loop3A_163 = arith.addi %parallel_loop3A_117, %parallel_loop3A_162 : i32
          %parallel_loop3A_164 = arith.index_cast %parallel_loop3A_163 : i32 to index
          %parallel_loop3A_165 = tpu.vector_load %arg8[%parallel_loop3A_164] {strides = array<i32>} : memref<25600xf32, #tpu.memory_space<vmem>>, vector<16xf32>,
          tpu.vector_store %arg8[%parallel_loop3A_164], %parallel_loop3A_161 {strides = array<i32>} : memref<25600xf32, #tpu.memory_space<vmem>>, vector<16xf32>,
          %parallel_loop3A_166 = arith.constant 6 : i32
          %parallel_loop3A_167 = vector.broadcast %parallel_loop3A_166 : i32 to vector<16xi32>
          %parallel_loop3A_168 = arith.addi %parallel_loop3A_72, %parallel_loop3A_167 : vector<16xi32>
          %parallel_loop3A_169 = tpu.vector_load_idx %arg9[%parallel_loop3A_168] : memref<48xf32, #tpu.memory_space<vmem>>[vector<16xi32>], vector<16xf32>,
          %parallel_loop3A_170 = arith.constant 768 : i32
          %parallel_loop3A_171 = arith.addi %parallel_loop3A_117, %parallel_loop3A_170 : i32
          %parallel_loop3A_172 = arith.index_cast %parallel_loop3A_171 : i32 to index
          %parallel_loop3A_173 = tpu.vector_load %arg8[%parallel_loop3A_172] {strides = array<i32>} : memref<25600xf32, #tpu.memory_space<vmem>>, vector<16xf32>,
          tpu.vector_store %arg8[%parallel_loop3A_172], %parallel_loop3A_169 {strides = array<i32>} : memref<25600xf32, #tpu.memory_space<vmem>>, vector<16xf32>,
          %parallel_loop3A_174 = arith.constant 7 : i32
          %parallel_loop3A_175 = vector.broadcast %parallel_loop3A_174 : i32 to vector<16xi32>
          %parallel_loop3A_176 = arith.addi %parallel_loop3A_72, %parallel_loop3A_175 : vector<16xi32>
          %parallel_loop3A_177 = tpu.vector_load_idx %arg9[%parallel_loop3A_176] : memref<48xf32, #tpu.memory_space<vmem>>[vector<16xi32>], vector<16xf32>,
          %parallel_loop3A_178 = arith.constant 896 : i32
          %parallel_loop3A_179 = arith.addi %parallel_loop3A_117, %parallel_loop3A_178 : i32
          %parallel_loop3A_180 = arith.index_cast %parallel_loop3A_179 : i32 to index
          %parallel_loop3A_181 = tpu.vector_load %arg8[%parallel_loop3A_180] {strides = array<i32>} : memref<25600xf32, #tpu.memory_space<vmem>>, vector<16xf32>,
          tpu.vector_store %arg8[%parallel_loop3A_180], %parallel_loop3A_177 {strides = array<i32>} : memref<25600xf32, #tpu.memory_space<vmem>>, vector<16xf32>,
        } {sc.loop_unroll_factor = 1 : i64, sc.parallel_access}
        %mul3A_54 = arith.constant 25600 : i32
        %mul3A_55 = arith.muli %add3A_38, %mul3A_54 : i32
        %dma_start3A_56 = tpu.memref_slice %arg4[%mul3A_55] : memref<51200000xf32, #tpu.memory_space<hbm>> -> memref<25600xf32, #tpu.memory_space<hbm>>
        %dma_start3A_57 = tpu.memref_slice %arg4[%mul3A_55] : memref<51200000xf32, #tpu.memory_space<hbm>> -> memref<25600xf32, #tpu.memory_space<hbm>>
        tpu.enqueue_dma source(%arg8 : memref<25600xf32, #tpu.memory_space<vmem>>) target(%dma_start3A_57 : memref<25600xf32, #tpu.memory_space<hbm>>) target_semaphore(%arg13 : memref<!tpu.dma_semaphore, #tpu.memory_space<semaphore_mem>>)
        %add3A_58 = arith.constant 64 : i32
        %add3A_59 = arith.addi %add3A_38, %add3A_58 : i32
        %lt3A_60 = arith.constant 2000 : i32
        %lt3A_61 = arith.cmpi slt, %add3A_59, %lt3A_60 : i32
        %convert_element_type3A_62 = arith.extui %lt3A_61 : i1 to i32
        %cond3A_63 = arith.constant 0 : i32
        %cond3A_64 = arith.cmpi ne, %convert_element_type3A_62, %cond3A_63 : i32
        scf.if %cond3A_64 {
          %add3A_65 = arith.constant 64 : i32
          %add3A_66 = arith.addi %add3A_38, %add3A_65 : i32
          %mul3A_67 = arith.constant 3200 : i32
          %mul3A_68 = arith.muli %add3A_66, %mul3A_67 : i32
          %dma_start3A_69 = tpu.memref_slice %arg2[%mul3A_68] : memref<6400000xi32, #tpu.memory_space<hbm>> -> memref<3200xi32, #tpu.memory_space<hbm>>
          %dma_start3A_70 = tpu.memref_slice %arg2[%mul3A_68] : memref<6400000xi32, #tpu.memory_space<hbm>> -> memref<3200xi32, #tpu.memory_space<hbm>>
          tpu.enqueue_dma source(%dma_start3A_70 : memref<3200xi32, #tpu.memory_space<hbm>>) target(%arg6 : memref<3200xi32, #tpu.memory_space<vmem>>) target_semaphore(%arg11 : memref<!tpu.dma_semaphore, #tpu.memory_space<semaphore_mem>>)
        } else {
        }
      } else {
      }
    }
    %scan3A_14 = arith.constant 32 : i32
    %mul3A_15 = arith.constant 25600 : i32
    %mul3A_16 = arith.muli %add3A, %mul3A_15 : i32
    %dma_wait3A = tpu.memref_slice %arg4[%mul3A_16] : memref<51200000xf32, #tpu.memory_space<hbm>> -> memref<25600xf32, #tpu.memory_space<hbm>>
    %dma_wait3A_17 = tpu.memref_slice %arg4[%mul3A_16] : memref<51200000xf32, #tpu.memory_space<hbm>> -> memref<25600xf32, #tpu.memory_space<hbm>>
    tpu.wait_dma2 semaphore(%arg12 : memref<!tpu.dma_semaphore, #tpu.memory_space<semaphore_mem>>) src(%arg7 : memref<25600xf32, #tpu.memory_space<vmem>>) dst(%dma_wait3A_17 : memref<25600xf32, #tpu.memory_space<hbm>>)
    %mul3A_18 = arith.constant 25600 : i32
    %mul3A_19 = arith.muli %add3A, %mul3A_18 : i32
    %dma_wait3A_20 = tpu.memref_slice %arg4[%mul3A_19] : memref<51200000xf32, #tpu.memory_space<hbm>> -> memref<25600xf32, #tpu.memory_space<hbm>>
    %dma_wait3A_21 = tpu.memref_slice %arg4[%mul3A_19] : memref<51200000xf32, #tpu.memory_space<hbm>> -> memref<25600xf32, #tpu.memory_space<hbm>>
    tpu.wait_dma2 semaphore(%arg13 : memref<!tpu.dma_semaphore, #tpu.memory_space<semaphore_mem>>) src(%arg8 : memref<25600xf32, #tpu.memory_space<vmem>>) dst(%dma_wait3A_21 : memref<25600xf32, #tpu.memory_space<hbm>>)
    return
  }
}

</mosaic_0001>

<sc_bundles>
// kernel: kernel.3.cloned.1.call-start
scs
__scs_entry_jumppad:
0x0: {  	(pc) =	sbr.rel $0x88, $3  }
0x1: {  	(tag) =	ssettag $0x0;
	lr =	simm.s32 $0x1  }
0x2: {  	[smem:$0x3F9F] =	sst lr;
	_ =	strace $0xD0000000  }
0x3: {  	_ = 	snop  }
0x4: {  	_ = 	snop  }
0x5: {  	_ = 	snop  }
0x6: {  	_ = 	snop  }
0x7: {  	_ = 	snop  }
__scs_overlays_trampoline_lowered:
0x8: {  	[smem:$0x3FAE] =	sst s0  }
0x9: {  	[smem:$0x3FAF] =	sst s1  }
0xa: {  	[smem:$0x3FB0] =	sst s2  }
0xb: {  	[smem:$0x3FB1] =	sst s3  }
0xc: {  	[smem:$0x3FB2] =	sst s4  }
0xd: {  	[smem:$0x3FB3] =	sst s5  }
0xe: {  	[smem:$0x3FB4] =	sst s6  }
0xf: {  	[smem:$0x3FB5] =	sst s7  }
0x10: {  	[smem:$0x3FB6] =	sst s8  }
0x11: {  	[smem:$0x3FB7] =	sst s9;
	s0 =	simm.s32 @!p0 $0x0  }
0x12: {  	s1 =	sld [smem:$0x3F9D];
	s0 =	simm.s32 @p0 $0x1  }
0x13: {  	[smem:$0x3FB8] =	sst s0;
	s0 =	simm.s32 @!p1 $0x0  }
0x14: {  	s2 =	sld [smem:$0x3F9C];
	s0 =	simm.s32 @p1 $0x1  }
0x15: {  	[smem:$0x3FB9] =	sst s0;
	s0 =	simm.s32 @!p2 $0x0  }
0x16: {  	s3 =	sld [smem:$0x3FDB];
	s0 =	simm.s32 @p2 $0x1  }
0x17: {  	s4 =	simm.s32 $0x1BF5;
	[smem:$0x3FBB] =	sst s0  }
0x18: {  	s0 =	sld [smem:$0x3F9E];
	_ =	swait.ge [sflag:s4], $0x0  }
0x19: {  	s7 =	sld [smem:$0x3F9F]  }
0x1a: {  	s8 =	sadd.s32 $0xFFFFE003, lr  }
0x1b: {  	s9 =	sadd.s32 $0xFFFFFEF7, lr;
	s5 =	simm.s32 $0xFFFFFFFF;
	p2 =	slt.u32 s8, $0xFFFFF086  }
0x1c: {  	p1 =	slt.u32 s9, $0xF7A;
	s5 =	simm.s32 @!p2 $0x0  }
0x1d: {  	s5 =	simm.s32 @p1 $0x1;
	p0 =	seq.s32 s7, s2  }
0x1e: {  	s7 =	smul.u32 @!p0 $0xF7A, s2;
	p2 =	seq.s32 @!p0 s5, $0x0  }
0x1f: {  	s9 =	smul.u32 $0xF7A, s1;
	s8 =	simm.s32 @!p0 $0x1BF5;
	p2 =	por !p2, p0  }
0x20: {  	[sflag:s8] =	ssyncset.s32 @!p0 $0xFFFFF086;
	s6 =	sadd.s32 @!p0 s3, s7;
	s7 =	simm.s32 @!p0 $0x108  }
0x21: {  	s3 =	sadd.s32 s3, s9;
	s6 =	sadd.s32 @!p0 $0x88, s6;
	s7 =	simm.s32 @p2 $0x1082  }
0x22: {  	[simem:s7], [sflag:s8] =	dma.local @!p0 [hbm:s6], $0xF7A  }
0x23: {  	s9 =	sor.u32 $0xD0000000, s2;
	s6 =	simm.s32 $0x108;
	_ =	swait.ge @!p0 [sflag:s8], $0x0  }
0x24: {  	s3 =	sadd.s32 $0x88, s3;
	s6 =	simm.s32 @!p1 $0x1082;
	[sflag:s4] =	ssyncset.s32 $0xFFFFF086  }
0x25: {  	[simem:s6], [sflag:s4] =	dma.local [hbm:s3], $0xF7A  }
0x26: {  	[smem:$0x3F9F] =	sst s1;
	(tag) =	ssettag s2;
	_ =	strace s9  }
0x27: {  	s1 =	sld [smem:$0x3FAF]  }
0x28: {  	s2 =	sld [smem:$0x3FB0]  }
0x29: {  	s4 =	sld [smem:$0x3FB2]  }
0x2a: {  	p0 =	seq.s32 s5, $0x0;
	s5 =	sld [smem:$0x3FB3]  }
0x2b: {  	s6 =	sld [smem:$0x3FB4]  }
0x2c: {  	s7 =	sld [smem:$0x3FB5]  }
0x2d: {  	s3 =	simm.s32 $0x108;
	s8 =	sld [smem:$0x3FB6]  }
0x2e: {  	s3 =	simm.s32 @!p0 $0x1082;
	s9 =	sld [smem:$0x3FB7]  }
0x2f: {  	lr =	sadd.s32 s0, s3;
	s0 =	sld [smem:$0x3FAE]  }
0x30: {  	s3 =	sld [smem:$0x3FB1]  }
0x31: {  	[smem:$0x3FBA] =	sst s10  }
0x32: {  	s10 =	sld [smem:$0x3FB8];
	_ =	sdelay $0x3  }
0x33: {  	p0 =	seq.s32 s10, $0x1;
	s10 =	sld [smem:$0x3FBA];
	_ =	sdelay $0x3  }
0x34: {  	[smem:$0x3FBA] =	sst s10  }
0x35: {  	s10 =	sld [smem:$0x3FB9];
	_ =	sdelay $0x3  }
0x36: {  	p1 =	seq.s32 s10, $0x1;
	s10 =	sld [smem:$0x3FBA];
	_ =	sdelay $0x3  }
0x37: {  	[smem:$0x3FBA] =	sst s10  }
0x38: {  	s10 =	sld [smem:$0x3FBB]  }
0x39: {  	_ = 	snop;
	(pc) =	sbr.ind lr, $3  }
0x3a: {  	_ = 	snop  }
0x3b: {  	_ = 	snop  }
0x3c: {  	p2 =	seq.s32 s10, $0x1;
	s10 =	sld [smem:$0x3FBA]  }
0x3d: {  	_ =	shalt  }
0x3e: {  	_ =	shalt  }
0x3f: {  	_ =	shalt  }
0x40: {  	_ =	shalt  }
0x41: {  	_ =	shalt  }
0x42: {  	_ =	shalt  }
0x43: {  	_ =	shalt  }
0x44: {  	_ =	shalt  }
0x45: {  	_ =	shalt  }
0x46: {  	_ =	shalt  }
0x47: {  	_ =	shalt  }
0x48: {  	_ =	shalt  }
0x49: {  	_ =	shalt  }
0x4a: {  	_ =	shalt  }
0x4b: {  	_ =	shalt  }
0x4c: {  	_ =	shalt  }
0x4d: {  	_ =	shalt  }
0x4e: {  	_ =	shalt  }
0x4f: {  	_ =	shalt  }
0x50: {  	_ =	shalt  }
0x51: {  	_ =	shalt  }
0x52: {  	_ =	shalt  }
0x53: {  	_ =	shalt  }
0x54: {  	_ =	shalt  }
0x55: {  	_ =	shalt  }
0x56: {  	_ =	shalt  }
0x57: {  	_ =	shalt  }
0x58: {  	_ =	shalt  }
0x59: {  	_ =	shalt  }
0x5a: {  	_ =	shalt  }
0x5b: {  	_ =	shalt  }
0x5c: {  	_ =	shalt  }
0x5d: {  	_ =	shalt  }
0x5e: {  	_ =	shalt  }
0x5f: {  	_ =	shalt  }
0x60: {  	_ =	shalt  }
0x61: {  	_ =	shalt  }
0x62: {  	_ =	shalt  }
0x63: {  	_ =	shalt  }
0x64: {  	_ =	shalt  }
0x65: {  	_ =	shalt  }
0x66: {  	_ =	shalt  }
0x67: {  	_ =	shalt  }
0x68: {  	_ =	shalt  }
0x69: {  	_ =	shalt  }
0x6a: {  	_ =	shalt  }
0x6b: {  	_ =	shalt  }
0x6c: {  	_ =	shalt  }
0x6d: {  	_ =	shalt  }
0x6e: {  	_ =	shalt  }
0x6f: {  	_ =	shalt  }
0x70: {  	_ =	shalt  }
0x71: {  	_ =	shalt  }
0x72: {  	_ =	shalt  }
0x73: {  	_ =	shalt  }
0x74: {  	_ =	shalt  }
0x75: {  	_ =	shalt  }
0x76: {  	_ =	shalt  }
0x77: {  	_ =	shalt  }
0x78: {  	_ =	shalt  }
0x79: {  	_ =	shalt  }
0x7a: {  	_ =	shalt  }
0x7b: {  	_ =	shalt  }
0x7c: {  	_ =	shalt  }
0x7d: {  	_ =	shalt  }
0x7e: {  	_ =	shalt  }
0x7f: {  	_ =	shalt  }
0x80: {  	_ =	shalt  }
0x81: {  	_ =	shalt  }
0x82: {  	_ =	shalt  }
0x83: {  	_ =	shalt  }
0x84: {  	_ =	shalt  }
0x85: {  	_ =	shalt  }
0x86: {  	_ =	shalt  }
0x87: {  	_ =	shalt  }
.Lfunc_end0:
.L_simem_size_0:
called_computation_lowered:
.L_overlay_start_0:
0x88: {  	s2 =	sld [smem:$0x3FD9]  }
0x89: {  	s3 =	sld [smem:$0x3FFE];
	_ =	sdelay $0x1  }
0x8a: {  	s1 =	srdreg.scid  }
0x8b: {  	s0 =	sand.u32 $0x1, s1  }
0x8c: {  	s17 =	sshll.u32 s0, $0xA;
	s2 =	sadd.s32 s3, s2  }
0x8d: {  	s2 =	sadd.s32 s2, s17  }
0x8e: {  	[smem:$0x3FC6] =	sst s2  }
0x8f: {  	_ = 	snop  }
0x90: {  	s2 =	sld [smem:$0x3FC9]  }
0x91: {  	s18 =	sld [smem:$0x3FD0];
	(tm) =	ssettm $0x1  }
0x92: {  	s4 =	sld [smem:$0x3FFB];
	_ =	sdelay $0x3  }
0x93: {  	_ =	strace s4  }
0x94: {  	s4 =	sld [smem:$0x3FFC];
	_ =	sdelay $0x3  }
0x95: {  	_ =	strace s4  }
0x96: {  	s4 =	sld [smem:$0x3FFD];
	_ =	sdelay $0x3  }
0x97: {  	_ =	strace s4  }
0x98: {  	_ =	strace $0x8FFFFFFF  }
0x99: {  	s19 =	sld [smem:$0x3FDB];
	_ =	sdelay $0x1  }
0x9a: {  	s5 =	simm.s32 $_scs_section_size  }
0x9b: {  	s6 =	simm.s32 $_size__tile_overlayer_lowered;
	s7 =	simm.s32 $_tile_overlayer_lowered  }
0x9c: {  	s22 =	simm.s32 $0x1BFF;
	s21 =	sshll.u32 s7, $0x1;
	s4 =	sadd.s32 s5, s19  }
0x9d: {  	s8 =	simm.s32 $0x0;
	s20 =	sshll.u32 s6, $0x1;
	s6 =	sadd.s32 s21, s4  }
0x9e: {  	[timem:s8], [sflag:s22] =	dma.local [hbm:s6], s20  }
0x9f: {  	_ =	swait.ge [sflag:s22], s20  }
0xa0: {  	s5 =	ssub.s32 $0x0, s20;
	[sflag:s22] =	ssyncset.done $0x0  }
0xa1: {  	[sflag:s22] =	ssyncadd.s32 s5;
	_ =	sdelay $0x1  }
0xa2: {  	s23 =	simm.s32 $0x1B8B  }
0xa3: {  	_ =	swait.ge [sflag:s23], $0x1  }
0xa4: {  	[sflag:s23] =	ssyncset.done $0x0  }
0xa5: {  	s25 =	simm.s32 $0x1B8E;
	s24 =	sld [smem:$0x3FFE];
	[sflag:s23] =	ssyncadd.s32 $0xFFFFFFFF  }
0xa6: {  	s26 =	simm.s32 $execute0_lowered;
	[smem:$0x3FD2] =	sst s25  }
0xa7: {  	s6 =	sshll.u32 s26, $0x1;
	_ =	strace $0x80000046;
	[dreg:$0x1] =	wrdreg $0xFFFFFFFF  }
0xa8: {  	s28 =	simm.s32 $_size_execute0_lowered;
	s4 =	sadd.s32 s4, s6;
	[dreg:$0x0] =	wrdreg $0x0  }
0xa9: {  	s6 =	sshll.u32 s28, $0x1;
	[dreg:$0x2] =	wrdreg s4  }
0xaa: {  	[dreg:$0x3] =	wrdreg s6  }
0xab: {  	[dreg:$0x4] =	wrdreg $0xC0  }
0xac: {  	_ =	task [dreg:s8], $0x5FFFF  }
0xad: {  	[dreg:$0x1] =	wrdreg $0xFFFFFFFF  }
0xae: {  	[dreg:$0x0] =	wrdreg $0x60  }
0xaf: {  	[dreg:$0x2] =	wrdreg s2  }
0xb0: {  	[dreg:$0x3] =	wrdreg s24  }
0xb1: {  	[dreg:$0x4] =	wrdreg s18  }
0xb2: {  	[dreg:$0x5] =	wrdreg $0x9  }
0xb3: {  	_ =	task.clear_ibuf [dreg:s8], $0x6FFFF;
	_ =	strace $0x90000046  }
0xb4: {  	s29 =	simm.s32 $0x9;
	_ =	strace $0x80000048  }
0xb5: {  	_ =	swait.ge [sflag:s29], $0x1  }
0xb6: {  	[sflag:s29] =	ssyncadd.s32 $0xFFFFFFFF  }
0xb7: {  	_ =	strace $0x90000048  }
0xb8: {  	_ =	sfence  }
0xb9: {  	s30 =	sld [smem:$0x0];
	_ =	sdelay $0x2  }
0xba: {  	s31 =	sshll.u32 s1, $0xD;
	s1 =	sshrl.u32 s1, $0x2  }
0xbb: {  	s3 =	sand.u32 $0x4000, s31;
	s1 =	sadd.s32 s1, s30  }
0xbc: {  	s0 =	sor.u32 s3, s0;
	s1 =	sshll.u32 s1, $0x11  }
0xbd: {  	s0 =	sor.u32 s1, s0  }
0xbe: {  	s0 =	sadd.s32 $0x8F2B, s0  }
0xbf: {  	[sflag:s0] =	ssyncadd.remote.s32 $0x1  }
0xc0: {  	_ =	sfence.sel $0xFFFF  }
0xc1: {  	[dreg:$0x0] =	wrdreg $0xFFFFFFFF;
	(pc) =	sbr.abs _section_cstart, $3  }
0xc2: {  	[dreg:$0x1] =	wrdreg $0xFFFFFFFF  }
0xc3: {  	_ =	task.clear_ibuf [dreg:s8], $0x2FFFF;
	_ =	strace $0x9FFFFFFF  }
0xc4: {  	(tm) =	ssettm $0x7FFFFFFF  }
0xc5: {  	_ =	shalt  }
tec
execute0_lowered:
.L_overlay_start_1:
0x0: {  	(tag) =	ssettag $0x1  }
0x1: {  	s1 =	rddreg [dreg:$0x0]  }
0x2: {  	s0 =	rddreg [dreg:$0x1];
	s2 =	srdreg.scid  }
0x3: {  	s4 =	stileid.u32;
	s3 =	rddreg [dreg:$0x2];
	s10 =	simm.s32 $0xE100  }
0x4: {  	s11 =	simm.s32 $0x5;
	s12 =	simm.s32 $0xC80;
	s13 =	simm.s32 $0x1  }
0x5: {  	s14 =	simm.s32 $0x1900;
	s2 =	sand.u32 $0x1, s2;
	s5 =	sshll.u32 s4, $0x1  }
0x6: {  	s15 =	simm.s32 $0x2;
	s16 =	simm.s32 $0x7D00;
	s5 =	sor.u32 s2, s5  }
0x7: {  	s17 =	simm.s32 $0x3;
	s18 =	simm.s32 $0x4;
	s7 =	smul.u32 $0xC80, s5  }
.Ltmp0:
0x8: {  	s19 =	simm.s32 $0x0;
	s4 =	simm.s32 $0x0;
	(pc) =	sbr.rel .LBB2_1-.Ltmp0, $4  }
0x9: {  	s6 =	sadd.s32 $0x400, s0;
	[smem:$0x7FF] =	sst s4;
	s2 =	ssub.s32 $0x2, s2  }
0xa: {  	s8 =	smul.u32 $0x190, s5;
	s30 =	sshrl.u32 s2, $0x1;
	s9 =	sshrl.u32 s7, $0x3  }
0xb: {  	_ =	strace $0x80000047;
	s0 =	ssub.s32 s2, s30;
	s31 =	sadd.s32 s1, s9  }
0xc: {  	s7 =	sadd.s32 s1, s8;
	s9 =	smax.u32 s0, $0x1;
	s8 =	sadd.s32 $0x3200, s31  }
.LBB2_11:
0xd: {  	s19 =	sadd.s32 $0x1, s19  }
0xe: {  	_ =	swait.ge [sflag:s17], $0x6400;
	p0 =	sne.s32 s19, s9  }
.Ltmp1:
0xf: {  	[sflag:s17] =	ssyncset.done $0x0;
	(pc) =	sbr.rel @!p0 .LBB2_12-.Ltmp1, $4  }
0x10: {  	[sflag:s17] =	ssyncadd.s32 $0xFFFF9C00  }
0x11: {  	_ =	swait.ge [sflag:s18], $0x6400  }
0x12: {  	[sflag:s18] =	ssyncset.done $0x0  }
0x13: {  	[sflag:s18] =	ssyncadd.s32 $0xFFFF9C00  }
.LBB2_1:
0x14: {  	[tilespmem:s10], [sflag:$0x5] =	stream.linear.gather [hbm4b:s6+s4], $0x30, $0x38;
	[tilespmem:$0xE130] =	vst v63  }
0x15: {  	_ =	swait.ge [sflag:s11], $0x30  }
.Ltmp2:
0x16: {  	[sflag:s11] =	ssyncset.done $0x0;
	(pc) =	sbr.rel .LBB2_2-.Ltmp2, $4  }
0x17: {  	[sflag:s11] =	ssyncadd.s32 $0xFFFFFFD0  }
0x18: {  	[tilespmem:s4], [sflag:$0x1] =	stream.linear.gather [hbm4b:s7+s4], $0xC80, $0x38;
	[tilespmem:$0xE130] =	vst v63  }
0x19: {  	s20 =	simm.s32 $0x0  }
0x1a: {  	[tilespmem:s12], [sflag:$0x2] =	stream.linear.gather [hbm4b:s8+s4], $0xC80, $0x38;
	[tilespmem:$0xE130] =	vst v63  }
.LBB2_10:
0x1b: {  	s20 =	sadd.s32 $0x1, s20  }
0x1c: {  	p0 =	sne.s32 s20, $0x20  }
.Ltmp3:
0x1d: {  	_ = 	snop;
	(pc) =	sbr.rel @!p0 .LBB2_11-.Ltmp3, $1  }
0x1e: {  	_ =	sdelay $0x3  }
.LBB2_2:
0x1f: {  	s0 =	sshll.u32 s20, $0x6  }
0x20: {  	s21 =	sor.u32 s5, s0  }
0x21: {  	p1 =	sgt.u32 s21, $0x7CF  }
.Ltmp4:
0x22: {  	_ = 	snop;
	(pc) =	sbr.rel @p1 .LBB2_6-.Ltmp4, $2  }
0x23: {  	_ =	sdelay $0x2  }
0x24: {  	p0 =	seq.s32 s20, $0x0  }
0x25: {  	_ =	swait.ge [sflag:s13], $0xC80  }
0x26: {  	[sflag:s13] =	ssyncset.done $0x0  }
0x27: {  	s0 =	simm.s32 @!p0 $0x3;
	[sflag:s13] =	ssyncadd.s32 $0xFFFFF380  }
0x28: {  	_ =	swait.ge @!p0 [sflag:s0], $0x6400  }
0x29: {  	[sflag:s0] =	ssyncset.done @!p0 $0x0  }
0x2a: {  	s25 =	simm.s32 $0x0;
	[sflag:s0] =	ssyncadd.s32 @!p0 $0xFFFF9C00  }
0x2b: {  	v0 =	vld [tilespmem:s25+$0x0];
	_ =	sdelay $0x3  }
0x2c: {  	s2 =	simm.s32 $0x10  }
0x2d: {  	v4 =	vshll.u32 v0, $0x3;
	v0 =	vld [tilespmem:s2+$0x0];
	_ =	sdelay $0x4  }
0x2e: {  	v1 =	vld.idx.msk [tilespmem:v4+s10+$0x0], $0xffff;
	v6 =	vshll.u32 v0, $0x3  }
0x2f: {  	v2 =	vor.u32 $0x1, v4;
	_ =	sdelay $0x1  }
0x30: {  	s24 =	simm.s32 $0x20;
	s22 =	sand.u32 $0x7C00, s25;
	s0 =	sand.u32 $0x70, s25  }
0x31: {  	s25 =	sor.u32 s0, s22;
	v0 =	vld [tilespmem:s24+$0x0]  }
0x32: {  	[tilespmem:s25+$0x1900] =	vst v1;
	v3 =	vld.idx.msk [tilespmem:v6+s10+$0x0], $0xffff  }
0x33: {  	v5 =	vor.u32 $0x1, v6;
	v1 =	vld.idx.msk [tilespmem:v2+s10+$0x0], $0xffff  }
0x34: {  	s26 =	simm.s32 $0x80;
	v2 =	vor.u32 $0x2, v4  }
0x35: {  	s0 =	sand.u32 $0x7C00, s26;
	s2 =	sand.u32 $0x70, s2  }
0x36: {  	s23 =	sor.u32 s2, s0;
	v0 =	vshll.u32 v0, $0x3  }
0x37: {  	[tilespmem:s23+$0x1900] =	vst v3  }
0x38: {  	[tilespmem:s25+$0x1980] =	vst v1;
	v5 =	vld.idx.msk [tilespmem:v5+s10+$0x0], $0xffff  }
0x39: {  	s26 =	simm.s32 $0x30;
	v1 =	vld.idx.msk [tilespmem:v2+s10+$0x0], $0xffff  }
0x3a: {  	v7 =	vor.u32 $0x2, v6;
	v2 =	vld [tilespmem:s26+$0x0]  }
0x3b: {  	v3 =	vor.u32 $0x3, v4;
	v8 =	vld.idx.msk [tilespmem:v0+s10+$0x0], $0xffff  }
0x3c: {  	v9 =	vor.u32 $0x1, v0  }
0x3d: {  	s2 =	simm.s32 $0x100  }
0x3e: {  	s22 =	sand.u32 $0x70, s24;
	s0 =	sand.u32 $0x7C00, s2;
	[tilespmem:s23+$0x1980] =	vst v5  }
0x3f: {  	s22 =	sor.u32 s22, s0;
	[tilespmem:s25+$0x1A00] =	vst v1;
	v1 =	vshll.u32 v2, $0x3;
	v5 =	vld.idx.msk [tilespmem:v7+s10+$0x0], $0xffff  }
0x40: {  	[tilespmem:s22+$0x1900] =	vst v8;
	v8 =	vor.u32 $0x3, v6;
	v3 =	vld.idx.msk [tilespmem:v3+s10+$0x0], $0xffff  }
0x41: {  	v9 =	vld.idx.msk [tilespmem:v9+s10+$0x0], $0xffff;
	v2 =	vor.u32 $0x4, v4  }
0x42: {  	s28 =	simm.s32 $0x40;
	v11 =	vor.u32 $0x2, v0  }
0x43: {  	v7 =	vld [tilespmem:s28+$0x0]  }
0x44: {  	v10 =	vld.idx.msk [tilespmem:v1+s10+$0x0], $0xffff;
	[tilespmem:s23+$0x1A00] =	vst v5  }
0x45: {  	v12 =	vor.u32 $0x1, v1;
	[tilespmem:s25+$0x1A80] =	vst v3;
	v8 =	vld.idx.msk [tilespmem:v8+s10+$0x0], $0xffff  }
0x46: {  	s24 =	simm.s32 $0x180;
	[tilespmem:s22+$0x1980] =	vst v9;
	v9 =	vor.u32 $0x4, v6;
	v3 =	vld.idx.msk [tilespmem:v2+s10+$0x0], $0xffff  }
0x47: {  	s0 =	sand.u32 $0x7C00, s24;
	s26 =	sand.u32 $0x70, s26;
	v5 =	vor.u32 $0x5, v4;
	v11 =	vld.idx.msk [tilespmem:v11+s10+$0x0], $0xffff  }
0x48: {  	s2 =	simm.s32 $0x50;
	s24 =	sor.u32 s26, s0;
	v2 =	vshll.u32 v7, $0x3  }
0x49: {  	v7 =	vld [tilespmem:s2+$0x0];
	[tilespmem:s24+$0x1900] =	vst v10  }
0x4a: {  	v10 =	vld.idx.msk [tilespmem:v12+s10+$0x0], $0xffff;
	v12 =	vor.u32 $0x3, v0;
	[tilespmem:s23+$0x1A80] =	vst v8  }
0x4b: {  	v13 =	vor.u32 $0x2, v1;
	[tilespmem:s25+$0x1B00] =	vst v3;
	v9 =	vld.idx.msk [tilespmem:v9+s10+$0x0], $0xffff  }
0x4c: {  	[tilespmem:s22+$0x1A00] =	vst v11;
	v11 =	vor.u32 $0x5, v6;
	v5 =	vld.idx.msk [tilespmem:v5+s10+$0x0], $0xffff  }
0x4d: {  	s29 =	simm.s32 $0x60;
	v8 =	vor.u32 $0x6, v4;
	v14 =	vld.idx.msk [tilespmem:v2+s10+$0x0], $0xffff  }
0x4e: {  	v16 =	vld [tilespmem:s29+$0x0];
	v15 =	vor.u32 $0x1, v2  }
0x4f: {  	s26 =	simm.s32 $0x200;
	v12 =	vld.idx.msk [tilespmem:v12+s10+$0x0], $0xffff;
	[tilespmem:s24+$0x1980] =	vst v10  }
0x50: {  	s0 =	sand.u32 $0x7C00, s26;
	s26 =	sand.u32 $0x70, s28;
	v3 =	vshll.u32 v7, $0x3;
	v7 =	vld.idx.msk [tilespmem:v13+s10+$0x0], $0xffff;
	[tilespmem:s23+$0x1B00] =	vst v9  }
0x51: {  	s26 =	sor.u32 s26, s0;
	v10 =	vor.u32 $0x4, v0;
	[tilespmem:s25+$0x1B80] =	vst v5;
	v11 =	vld.idx.msk [tilespmem:v11+s10+$0x0], $0xffff  }
0x52: {  	[tilespmem:s26+$0x1900] =	vst v14;
	v13 =	vor.u32 $0x3, v1;
	v5 =	vld.idx.msk [tilespmem:v8+s10+$0x0], $0xffff  }
0x53: {  	s30 =	simm.s32 $0x70;
	v4 =	vor.u32 $0x7, v4;
	v8 =	vld.idx.msk [tilespmem:v15+s10+$0x0], $0xffff  }
0x54: {  	v18 =	vor.u32 $0x6, v6;
	v14 =	vld [tilespmem:s30+$0x0];
	[tilespmem:s22+$0x1A80] =	vst v12  }
0x55: {  	v17 =	vor.u32 $0x2, v2;
	v15 =	vld.idx.msk [tilespmem:v3+s10+$0x0], $0xffff;
	[tilespmem:s24+$0x1A00] =	vst v7  }
0x56: {  	v19 =	vor.u32 $0x1, v3;
	v12 =	vld.idx.msk [tilespmem:v10+s10+$0x0], $0xffff;
	[tilespmem:s23+$0x1B80] =	vst v11  }
0x57: {  	s31 =	simm.s32 $0x280;
	v20 =	vor.u32 $0x5, v0;
	v9 =	vld.idx.msk [tilespmem:v13+s10+$0x0], $0xffff;
	[tilespmem:s25+$0x1C00] =	vst v5  }
0x58: {  	s0 =	sand.u32 $0x7C00, s31;
	s2 =	sand.u32 $0x70, s2;
	[tilespmem:s26+$0x1980] =	vst v8;
	v8 =	vld.idx.msk [tilespmem:v4+s10+$0x0], $0xffff;
	v4 =	vshll.u32 v16, $0x3  }
0x59: {  	s28 =	sor.u32 s2, s0;
	v11 =	vor.u32 $0x4, v1;
	v7 =	vld.idx.msk [tilespmem:v18+s10+$0x0], $0xffff  }
0x5a: {  	[tilespmem:s28+$0x1900] =	vst v15;
	v10 =	vld.idx.msk [tilespmem:v17+s10+$0x0], $0xffff  }
0x5b: {  	v13 =	vld.idx.msk [tilespmem:v19+s10+$0x0], $0xffff;
	[tilespmem:s22+$0x1B00] =	vst v12;
	v12 =	vor.u32 $0x3, v2  }
0x5c: {  	s0 =	simm.s32 $0x80;
	s2 =	simm.s32 $0x70;
	v6 =	vor.u32 $0x7, v6;
	v5 =	vld.idx.msk [tilespmem:v20+s10+$0x0], $0xffff  }
.LBB2_4:
0x5d: {  	p1 =	sne.s32 s0, $0xC70;
	v15 =	vld.idx.msk [tilespmem:v4+s10+$0x0], $0xffff;
	v16 =	vor.u32 $0x2, v3;
	[tilespmem:s24+$0x1A80] =	vst v9;
	v17 =	vmov v4  }
0x5e: {  	s30 =	sadd.s32 $0x10, s30;
	v19 =	vor.u32 $0x6, v0;
	v18 =	vld.idx.msk [tilespmem:v11+s10+$0x0], $0xffff;
	[tilespmem:s25+$0x1C80] =	vst v8;
	s25 =	smov.u32 s23;
	s23 =	smov.u32 s22  }
0x5f: {  	v21 =	vor.u32 $0x1, v17;
	s22 =	smov.u32 s24;
	s24 =	smov.u32 s26;
	v20 =	vld [tilespmem:s30+$0x0];
	[tilespmem:s26+$0x1A00] =	vst v10;
	s26 =	smov.u32 s28  }
0x60: {  	s31 =	sadd.s32 $0x80, s31;
	v22 =	vor.u32 $0x5, v1;
	v9 =	vld.idx.msk [tilespmem:v12+s10+$0x0], $0xffff;
	[tilespmem:s25+$0x1C00] =	vst v7  }
.Ltmp5:
0x61: {  	v4 =	vshll.u32 v14, $0x3;
	s29 =	sand.u32 $0x70, s29;
	s28 =	sand.u32 $0x7C00, s31;
	[tilespmem:s26+$0x1980] =	vst v13;
	v8 =	vld.idx.msk [tilespmem:v6+s10+$0x0], $0xffff;
	(pc) =	sbr.rel @p1 .LBB2_4-.Ltmp5, $4  }
0x62: {  	v11 =	vor.u32 $0x4, v2;
	s28 =	sor.u32 s29, s28;
	s29 =	smov.u32 s2;
	s2 =	smov.u32 s0;
	v10 =	vld.idx.msk [tilespmem:v16+s10+$0x0], $0xffff;
	[tilespmem:s23+$0x1B80] =	vst v5  }
0x63: {  	[tilespmem:s28+$0x1900] =	vst v15;
	v7 =	vld.idx.msk [tilespmem:v19+s10+$0x0], $0xffff  }
0x64: {  	v12 =	vor.u32 $0x3, v3;
	v13 =	vld.idx.msk [tilespmem:v21+s10+$0x0], $0xffff;
	[tilespmem:s22+$0x1B00] =	vst v18;
	v14 =	vmov v20  }
0x65: {  	s0 =	sadd.s32 $0x10, s0;
	v6 =	vor.u32 $0x7, v0;
	v0 =	vmovc v1;
	v1 =	vmovc v2;
	v2 =	vmov v3;
	v3 =	vmov v17;
	v5 =	vld.idx.msk [tilespmem:v22+s10+$0x0], $0xffff  }
0x66: {  	v14 =	vshll.u32 v14, $0x3;
	_ =	sdelay $0x3  }
0x67: {  	v15 =	vld.idx.msk [tilespmem:v4+s10+$0x0], $0xffff  }
0x68: {  	v16 =	vor.u32 $0x1, v4;
	v17 =	vld.idx.msk [tilespmem:v14+s10+$0x0], $0xffff  }
0x69: {  	s0 =	sadd.s32 $0x80, s31;
	v18 =	vor.u32 $0x1, v14  }
0x6a: {  	s29 =	sand.u32 $0x70, s29;
	s30 =	sand.u32 $0x7C00, s0;
	s0 =	sadd.s32 $0x80, s0  }
0x6b: {  	s2 =	sand.u32 $0x70, s2;
	s29 =	sor.u32 s29, s30;
	s0 =	sand.u32 $0x7C00, s0  }
0x6c: {  	s2 =	sor.u32 s2, s0;
	[tilespmem:s29+$0x1900] =	vst v15  }
0x6d: {  	v33 =	vor.u32 $0x2, v3;
	v16 =	vld.idx.msk [tilespmem:v16+s10+$0x0], $0xffff;
	[tilespmem:s2+$0x1900] =	vst v17  }
0x6e: {  	v34 =	vor.u32 $0x2, v4;
	v18 =	vld.idx.msk [tilespmem:v18+s10+$0x0], $0xffff  }
0x6f: {  	v19 =	vor.u32 $0x2, v14;
	_ =	sdelay $0x1  }
0x70: {  	[tilespmem:s28+$0x1980] =	vst v13  }
0x71: {  	v13 =	vld.idx.msk [tilespmem:v33+s10+$0x0], $0xffff;
	[tilespmem:s29+$0x1980] =	vst v16  }
0x72: {  	v35 =	vor.u32 $0x3, v3;
	v16 =	vld.idx.msk [tilespmem:v34+s10+$0x0], $0xffff;
	[tilespmem:s2+$0x1980] =	vst v18  }
0x73: {  	v36 =	vor.u32 $0x3, v4;
	v18 =	vld.idx.msk [tilespmem:v19+s10+$0x0], $0xffff  }
0x74: {  	[tilespmem:s24+$0x1A80] =	vst v9;
	v37 =	vor.u32 $0x3, v14  }
0x75: {  	[tilespmem:s26+$0x1A00] =	vst v10  }
0x76: {  	v10 =	vld.idx.msk [tilespmem:v12+s10+$0x0], $0xffff;
	[tilespmem:s28+$0x1A00] =	vst v13  }
0x77: {  	v38 =	vor.u32 $0x4, v2;
	v13 =	vld.idx.msk [tilespmem:v35+s10+$0x0], $0xffff;
	[tilespmem:s29+$0x1A00] =	vst v16  }
0x78: {  	v39 =	vor.u32 $0x4, v3;
	v16 =	vld.idx.msk [tilespmem:v36+s10+$0x0], $0xffff;
	[tilespmem:s2+$0x1A00] =	vst v18  }
0x79: {  	[tilespmem:s25+$0x1C80] =	vst v8;
	v40 =	vor.u32 $0x4, v4;
	v9 =	vld.idx.msk [tilespmem:v37+s10+$0x0], $0xffff  }
0x7a: {  	v41 =	vor.u32 $0x4, v14;
	[tilespmem:s23+$0x1C00] =	vst v7  }
0x7b: {  	v11 =	vld.idx.msk [tilespmem:v11+s10+$0x0], $0xffff;
	[tilespmem:s26+$0x1A80] =	vst v10  }
0x7c: {  	v42 =	vor.u32 $0x5, v1;
	v12 =	vld.idx.msk [tilespmem:v38+s10+$0x0], $0xffff;
	[tilespmem:s28+$0x1A80] =	vst v13  }
0x7d: {  	v43 =	vor.u32 $0x5, v2;
	v15 =	vld.idx.msk [tilespmem:v39+s10+$0x0], $0xffff;
	[tilespmem:s29+$0x1A80] =	vst v16  }
0x7e: {  	v44 =	vor.u32 $0x5, v3;
	v8 =	vld.idx.msk [tilespmem:v40+s10+$0x0], $0xffff;
	[tilespmem:s2+$0x1A80] =	vst v9  }
0x7f: {  	v45 =	vor.u32 $0x5, v4;
	[tilespmem:s22+$0x1B80] =	vst v5;
	v7 =	vld.idx.msk [tilespmem:v41+s10+$0x0], $0xffff  }
0x80: {  	v46 =	vor.u32 $0x5, v14;
	v6 =	vld.idx.msk [tilespmem:v6+s10+$0x0], $0xffff;
	[tilespmem:s24+$0x1B00] =	vst v11  }
0x81: {  	v47 =	vor.u32 $0x6, v0;
	v10 =	vld.idx.msk [tilespmem:v42+s10+$0x0], $0xffff;
	[tilespmem:s26+$0x1B00] =	vst v12  }
0x82: {  	v48 =	vor.u32 $0x6, v1;
	v13 =	vld.idx.msk [tilespmem:v43+s10+$0x0], $0xffff;
	[tilespmem:s28+$0x1B00] =	vst v15  }
0x83: {  	v49 =	vor.u32 $0x6, v2;
	v16 =	vld.idx.msk [tilespmem:v44+s10+$0x0], $0xffff;
	[tilespmem:s29+$0x1B00] =	vst v8  }
0x84: {  	v50 =	vor.u32 $0x6, v3;
	v5 =	vld.idx.msk [tilespmem:v45+s10+$0x0], $0xffff;
	[tilespmem:s2+$0x1B00] =	vst v7  }
0x85: {  	v51 =	vor.u32 $0x6, v4;
	[tilespmem:s23+$0x1C80] =	vst v6;
	v7 =	vld.idx.msk [tilespmem:v46+s10+$0x0], $0xffff  }
0x86: {  	v53 =	vor.u32 $0x6, v14;
	v52 =	vld.idx.msk [tilespmem:v47+s10+$0x0], $0xffff;
	[tilespmem:s24+$0x1B80] =	vst v10  }
0x87: {  	v54 =	vor.u32 $0x7, v0;
	v55 =	vld.idx.msk [tilespmem:v48+s10+$0x0], $0xffff;
	[tilespmem:s26+$0x1B80] =	vst v13  }
0x88: {  	v56 =	vor.u32 $0x7, v1;
	v57 =	vld.idx.msk [tilespmem:v49+s10+$0x0], $0xffff;
	[tilespmem:s28+$0x1B80] =	vst v16  }
0x89: {  	v58 =	vor.u32 $0x7, v2;
	v8 =	vld.idx.msk [tilespmem:v50+s10+$0x0], $0xffff;
	[tilespmem:s29+$0x1B80] =	vst v5  }
0x8a: {  	v59 =	vor.u32 $0x7, v3;
	v5 =	vld.idx.msk [tilespmem:v51+s10+$0x0], $0xffff;
	[tilespmem:s2+$0x1B80] =	vst v7  }
0x8b: {  	v60 =	vor.u32 $0x7, v4;
	[tilespmem:s22+$0x1C00] =	vst v52;
	v61 =	vld.idx.msk [tilespmem:v53+s10+$0x0], $0xffff  }
0x8c: {  	v62 =	vor.u32 $0x7, v14;
	v0 =	vld.idx.msk [tilespmem:v54+s10+$0x0], $0xffff;
	[tilespmem:s24+$0x1C00] =	vst v55  }
0x8d: {  	v1 =	vld.idx.msk [tilespmem:v56+s10+$0x0], $0xffff;
	[tilespmem:s26+$0x1C00] =	vst v57  }
0x8e: {  	v2 =	vld.idx.msk [tilespmem:v58+s10+$0x0], $0xffff;
	[tilespmem:s28+$0x1C00] =	vst v8  }
0x8f: {  	v3 =	vld.idx.msk [tilespmem:v59+s10+$0x0], $0xffff;
	[tilespmem:s29+$0x1C00] =	vst v5  }
0x90: {  	v4 =	vld.idx.msk [tilespmem:v60+s10+$0x0], $0xffff;
	[tilespmem:s2+$0x1C00] =	vst v61  }
0x91: {  	[tilespmem:s22+$0x1C80] =	vst v0;
	v63 =	vld.idx.msk [tilespmem:v62+s10+$0x0], $0xffff  }
0x92: {  	[tilespmem:s24+$0x1C80] =	vst v1  }
0x93: {  	s0 =	smul.u32 $0xC80, s21;
	[tilespmem:s26+$0x1C80] =	vst v2  }
0x94: {  	p1 =	sgt.u32 s21, $0x78F;
	[tilespmem:s28+$0x1C80] =	vst v3  }
0x95: {  	s31 =	sadd.s32 s3, s0;
	s0 =	sshrl.u32 @!p1 s0, $0x3;
	[tilespmem:s29+$0x1C80] =	vst v4  }
0x96: {  	s0 =	sadd.s32 @!p1 s1, s0;
	[tilespmem:s2+$0x1C80] =	vst v63  }
0x97: {  	[hbm4b:s31+s4] =	stream.linear.scatter [tilespmem:s14], [sflag:$0x3], $0x6400, $0x38;
	[tilespmem:$0xE130] =	vst v63  }
0x98: {  	s0 =	sadd.s32 @!p1 $0x6400, s0;
	s2 =	simm.s32 @!p1 $0x0  }
0x99: {  	[tilespmem:s2], [sflag:$0x1] =	stream.linear.gather @!p1 [hbm4b:s0+s2], $0xC80, $0x38;
	[tilespmem:$0xE130] =	vst v63  }
.LBB2_6:
0x9a: {  	s21 =	sor.u32 $0x20, s21  }
0x9b: {  	p1 =	sgt.u32 s21, $0x7CF  }
.Ltmp6:
0x9c: {  	_ = 	snop;
	(pc) =	sbr.rel @p1 .LBB2_10-.Ltmp6, $1  }
0x9d: {  	_ =	sdelay $0x3  }
0x9e: {  	_ =	swait.ge [sflag:s15], $0xC80  }
0x9f: {  	[sflag:s15] =	ssyncset.done $0x0  }
0xa0: {  	s0 =	simm.s32 @!p0 $0x4;
	[sflag:s15] =	ssyncadd.s32 $0xFFFFF380  }
0xa1: {  	_ =	swait.ge @!p0 [sflag:s0], $0x6400  }
0xa2: {  	[sflag:s0] =	ssyncset.done @!p0 $0x0  }
0xa3: {  	s24 =	simm.s32 $0xC80;
	[sflag:s0] =	ssyncadd.s32 @!p0 $0xFFFF9C00  }
0xa4: {  	v0 =	vld [tilespmem:s24+$0x0];
	_ =	sdelay $0x4  }
0xa5: {  	s25 =	simm.s32 $0xC90;
	v4 =	vshll.u32 v0, $0x3  }
0xa6: {  	v0 =	vld [tilespmem:s25+$0x0];
	_ =	sdelay $0x3  }
0xa7: {  	s22 =	simm.s32 $0xCA0;
	v1 =	vld.idx.msk [tilespmem:v4+s10+$0x0], $0xffff  }
0xa8: {  	v6 =	vshll.u32 v0, $0x3;
	v0 =	vld [tilespmem:s22+$0x0]  }
0xa9: {  	v2 =	vor.u32 $0x1, v4  }
0xaa: {  	s26 =	simm.s32 $0x0  }
0xab: {  	s2 =	sand.u32 $0x7C00, s26;
	s0 =	sand.u32 $0x70, s26  }
0xac: {  	s25 =	sor.u32 s0, s2  }
0xad: {  	[tilespmem:s25+$0x7D00] =	vst v1;
	v3 =	vld.idx.msk [tilespmem:v6+s10+$0x0], $0xffff;
	v0 =	vshll.u32 v0, $0x3  }
0xae: {  	v5 =	vor.u32 $0x1, v6;
	v1 =	vld.idx.msk [tilespmem:v2+s10+$0x0], $0xffff  }
0xaf: {  	s23 =	simm.s32 $0x80;
	s22 =	simm.s32 $0x10;
	v2 =	vor.u32 $0x2, v4  }
0xb0: {  	s2 =	sand.u32 $0x7C00, s23;
	s0 =	sand.u32 $0x70, s22  }
0xb1: {  	s23 =	sor.u32 s0, s2  }
0xb2: {  	[tilespmem:s23+$0x7D00] =	vst v3;
	v8 =	vld.idx.msk [tilespmem:v0+s10+$0x0], $0xffff  }
0xb3: {  	[tilespmem:s25+$0x7D80] =	vst v1;
	v5 =	vld.idx.msk [tilespmem:v5+s10+$0x0], $0xffff  }
0xb4: {  	s24 =	simm.s32 $0xCB0;
	v9 =	vor.u32 $0x1, v0;
	v1 =	vld.idx.msk [tilespmem:v2+s10+$0x0], $0xffff  }
0xb5: {  	s26 =	simm.s32 $0x20;
	v7 =	vor.u32 $0x2, v6;
	s22 =	simm.s32 $0x100;
	v2 =	vld [tilespmem:s24+$0x0]  }
0xb6: {  	s2 =	sand.u32 $0x7C00, s22;
	s0 =	sand.u32 $0x70, s26;
	v3 =	vor.u32 $0x3, v4  }
0xb7: {  	s22 =	sor.u32 s0, s2  }
0xb8: {  	[tilespmem:s22+$0x7D00] =	vst v8  }
0xb9: {  	[tilespmem:s23+$0x7D80] =	vst v5;
	v9 =	vld.idx.msk [tilespmem:v9+s10+$0x0], $0xffff  }
0xba: {  	[tilespmem:s25+$0x7E00] =	vst v1;
	v1 =	vshll.u32 v2, $0x3;
	v5 =	vld.idx.msk [tilespmem:v7+s10+$0x0], $0xffff  }
0xbb: {  	s24 =	simm.s32 $0xCC0;
	v3 =	vld.idx.msk [tilespmem:v3+s10+$0x0], $0xffff  }
0xbc: {  	v2 =	vor.u32 $0x4, v4;
	v7 =	vld [tilespmem:s24+$0x0]  }
0xbd: {  	v11 =	vor.u32 $0x2, v0  }
0xbe: {  	v8 =	vor.u32 $0x3, v6  }
0xbf: {  	v10 =	vld.idx.msk [tilespmem:v1+s10+$0x0], $0xffff  }
0xc0: {  	v12 =	vor.u32 $0x1, v1;
	[tilespmem:s25+$0x7E80] =	vst v3  }
0xc1: {  	s0 =	simm.s32 $0x30;
	s24 =	simm.s32 $0x180;
	[tilespmem:s22+$0x7D80] =	vst v9;
	v3 =	vld.idx.msk [tilespmem:v2+s10+$0x0], $0xffff;
	v2 =	vshll.u32 v7, $0x3  }
0xc2: {  	s0 =	sand.u32 $0x70, s0;
	s2 =	sand.u32 $0x7C00, s24;
	[tilespmem:s23+$0x7E00] =	vst v5;
	v5 =	vor.u32 $0x5, v4;
	v11 =	vld.idx.msk [tilespmem:v11+s10+$0x0], $0xffff  }
0xc3: {  	s26 =	simm.s32 $0xCD0;
	s24 =	sor.u32 s0, s2;
	v8 =	vld.idx.msk [tilespmem:v8+s10+$0x0], $0xffff  }
0xc4: {  	v9 =	vor.u32 $0x4, v6;
	v7 =	vld [tilespmem:s26+$0x0];
	[tilespmem:s24+$0x7D00] =	vst v10  }
0xc5: {  	v10 =	vld.idx.msk [tilespmem:v12+s10+$0x0], $0xffff;
	v12 =	vor.u32 $0x3, v0  }
0xc6: {  	v13 =	vor.u32 $0x2, v1;
	[tilespmem:s25+$0x7F00] =	vst v3;
	v14 =	vld.idx.msk [tilespmem:v2+s10+$0x0], $0xffff  }
0xc7: {  	s26 =	simm.s32 $0xCE0;
	v5 =	vld.idx.msk [tilespmem:v5+s10+$0x0], $0xffff  }
0xc8: {  	s2 =	simm.s32 $0x40;
	v16 =	vld [tilespmem:s26+$0x0];
	s26 =	simm.s32 $0x200;
	[tilespmem:s23+$0x7E80] =	vst v8;
	v8 =	vor.u32 $0x6, v4  }
0xc9: {  	s2 =	sand.u32 $0x70, s2;
	v15 =	vor.u32 $0x1, v2;
	s0 =	sand.u32 $0x7C00, s26;
	[tilespmem:s22+$0x7E00] =	vst v11;
	v9 =	vld.idx.msk [tilespmem:v9+s10+$0x0], $0xffff  }
0xca: {  	v11 =	vor.u32 $0x5, v6;
	s26 =	sor.u32 s2, s0;
	v12 =	vld.idx.msk [tilespmem:v12+s10+$0x0], $0xffff;
	[tilespmem:s24+$0x7D80] =	vst v10  }
0xcb: {  	s29 =	simm.s32 $0xCF0;
	v3 =	vshll.u32 v7, $0x3;
	v7 =	vld.idx.msk [tilespmem:v13+s10+$0x0], $0xffff;
	[tilespmem:s26+$0x7D00] =	vst v14  }
0xcc: {  	v10 =	vor.u32 $0x4, v0;
	v14 =	vld [tilespmem:s29+$0x0];
	[tilespmem:s25+$0x7F80] =	vst v5  }
0xcd: {  	v13 =	vor.u32 $0x3, v1;
	v5 =	vld.idx.msk [tilespmem:v8+s10+$0x0], $0xffff  }
0xce: {  	v4 =	vor.u32 $0x7, v4;
	[tilespmem:s23+$0x7F00] =	vst v9;
	v8 =	vld.idx.msk [tilespmem:v15+s10+$0x0], $0xffff  }
0xcf: {  	v17 =	vor.u32 $0x2, v2;
	v11 =	vld.idx.msk [tilespmem:v11+s10+$0x0], $0xffff  }
0xd0: {  	v15 =	vld.idx.msk [tilespmem:v3+s10+$0x0], $0xffff;
	[tilespmem:s22+$0x7E80] =	vst v12;
	v12 =	vor.u32 $0x6, v6  }
0xd1: {  	v19 =	vor.u32 $0x1, v3;
	v18 =	vld.idx.msk [tilespmem:v10+s10+$0x0], $0xffff;
	[tilespmem:s24+$0x7E00] =	vst v7  }
0xd2: {  	s30 =	simm.s32 $0x280;
	v20 =	vor.u32 $0x5, v0;
	s0 =	simm.s32 $0x50;
	v9 =	vld.idx.msk [tilespmem:v13+s10+$0x0], $0xffff;
	[tilespmem:s25+$0x8000] =	vst v5  }
0xd3: {  	s2 =	sand.u32 $0x7C00, s30;
	s0 =	sand.u32 $0x70, s0;
	[tilespmem:s26+$0x7D80] =	vst v8;
	v8 =	vld.idx.msk [tilespmem:v4+s10+$0x0], $0xffff;
	v4 =	vshll.u32 v16, $0x3  }
0xd4: {  	s28 =	sor.u32 s0, s2;
	[tilespmem:s23+$0x7F80] =	vst v11;
	v11 =	vor.u32 $0x4, v1;
	v10 =	vld.idx.msk [tilespmem:v17+s10+$0x0], $0xffff  }
0xd5: {  	[tilespmem:s28+$0x7D00] =	vst v15;
	v7 =	vld.idx.msk [tilespmem:v12+s10+$0x0], $0xffff  }
0xd6: {  	v13 =	vor.u32 $0x3, v2;
	v12 =	vld.idx.msk [tilespmem:v19+s10+$0x0], $0xffff;
	[tilespmem:s22+$0x7F00] =	vst v18  }
0xd7: {  	s31 =	simm.s32 $0x70;
	s2 =	simm.s32 $0x60;
	s0 =	simm.s32 $0x80;
	v6 =	vor.u32 $0x7, v6;
	v5 =	vld.idx.msk [tilespmem:v20+s10+$0x0], $0xffff  }
.LBB2_8:
0xd8: {  	p0 =	sne.s32 s0, $0xC70;
	v15 =	vld.idx.msk [tilespmem:v4+s10+$0x0], $0xffff;
	v16 =	vor.u32 $0x2, v3;
	[tilespmem:s24+$0x7E80] =	vst v9;
	v17 =	vmov v4  }
0xd9: {  	s29 =	sadd.s32 $0x10, s29;
	v19 =	vor.u32 $0x6, v0;
	v18 =	vld.idx.msk [tilespmem:v11+s10+$0x0], $0xffff;
	[tilespmem:s25+$0x8080] =	vst v8;
	s25 =	smov.u32 s23;
	s23 =	smov.u32 s22  }
0xda: {  	v21 =	vor.u32 $0x1, v17;
	s22 =	smov.u32 s24;
	s24 =	smov.u32 s26;
	v20 =	vld [tilespmem:s29+$0x0];
	[tilespmem:s26+$0x7E00] =	vst v10;
	s26 =	smov.u32 s28  }
0xdb: {  	s30 =	sadd.s32 $0x80, s30;
	v22 =	vor.u32 $0x5, v1;
	v9 =	vld.idx.msk [tilespmem:v13+s10+$0x0], $0xffff;
	[tilespmem:s25+$0x8000] =	vst v7  }
.Ltmp7:
0xdc: {  	v4 =	vshll.u32 v14, $0x3;
	s2 =	sand.u32 $0x70, s2;
	s28 =	sand.u32 $0x7C00, s30;
	[tilespmem:s26+$0x7D80] =	vst v12;
	v8 =	vld.idx.msk [tilespmem:v6+s10+$0x0], $0xffff;
	(pc) =	sbr.rel @p0 .LBB2_8-.Ltmp7, $4  }
0xdd: {  	v11 =	vor.u32 $0x4, v2;
	s28 =	sor.u32 s2, s28;
	s2 =	smov.u32 s31;
	s31 =	smov.u32 s0;
	v10 =	vld.idx.msk [tilespmem:v16+s10+$0x0], $0xffff;
	[tilespmem:s23+$0x7F80] =	vst v5  }
0xde: {  	[tilespmem:s28+$0x7D00] =	vst v15;
	v7 =	vld.idx.msk [tilespmem:v19+s10+$0x0], $0xffff  }
0xdf: {  	v13 =	vor.u32 $0x3, v3;
	v12 =	vld.idx.msk [tilespmem:v21+s10+$0x0], $0xffff;
	[tilespmem:s22+$0x7F00] =	vst v18;
	v14 =	vmov v20  }
0xe0: {  	s0 =	sadd.s32 $0x10, s0;
	v6 =	vor.u32 $0x7, v0;
	v0 =	vmovc v1;
	v1 =	vmovc v2;
	v2 =	vmov v3;
	v3 =	vmov v17;
	v5 =	vld.idx.msk [tilespmem:v22+s10+$0x0], $0xffff  }
0xe1: {  	v14 =	vshll.u32 v14, $0x3;
	_ =	sdelay $0x3  }
0xe2: {  	v15 =	vld.idx.msk [tilespmem:v4+s10+$0x0], $0xffff  }
0xe3: {  	v16 =	vor.u32 $0x1, v4;
	v17 =	vld.idx.msk [tilespmem:v14+s10+$0x0], $0xffff  }
0xe4: {  	s0 =	sadd.s32 $0x80, s30;
	v18 =	vor.u32 $0x1, v14  }
0xe5: {  	s2 =	sand.u32 $0x70, s2;
	s29 =	sand.u32 $0x7C00, s0;
	s0 =	sadd.s32 $0x80, s0  }
0xe6: {  	s31 =	sand.u32 $0x70, s31;
	s29 =	sor.u32 s2, s29;
	s0 =	sand.u32 $0x7C00, s0  }
0xe7: {  	s2 =	sor.u32 s31, s0;
	[tilespmem:s29+$0x7D00] =	vst v15  }
0xe8: {  	v32 =	vor.u32 $0x2, v3;
	v16 =	vld.idx.msk [tilespmem:v16+s10+$0x0], $0xffff;
	[tilespmem:s2+$0x7D00] =	vst v17  }
0xe9: {  	v33 =	vor.u32 $0x2, v4;
	v18 =	vld.idx.msk [tilespmem:v18+s10+$0x0], $0xffff  }
0xea: {  	v19 =	vor.u32 $0x2, v14;
	_ =	sdelay $0x1  }
0xeb: {  	[tilespmem:s28+$0x7D80] =	vst v12  }
0xec: {  	v12 =	vld.idx.msk [tilespmem:v32+s10+$0x0], $0xffff;
	[tilespmem:s29+$0x7D80] =	vst v16  }
0xed: {  	v34 =	vor.u32 $0x3, v3;
	v16 =	vld.idx.msk [tilespmem:v33+s10+$0x0], $0xffff;
	[tilespmem:s2+$0x7D80] =	vst v18  }
0xee: {  	v35 =	vor.u32 $0x3, v4;
	v18 =	vld.idx.msk [tilespmem:v19+s10+$0x0], $0xffff  }
0xef: {  	[tilespmem:s24+$0x7E80] =	vst v9;
	v36 =	vor.u32 $0x3, v14  }
0xf0: {  	[tilespmem:s26+$0x7E00] =	vst v10  }
0xf1: {  	v10 =	vld.idx.msk [tilespmem:v13+s10+$0x0], $0xffff;
	[tilespmem:s28+$0x7E00] =	vst v12  }
0xf2: {  	v37 =	vor.u32 $0x4, v2;
	v38 =	vld.idx.msk [tilespmem:v34+s10+$0x0], $0xffff;
	[tilespmem:s29+$0x7E00] =	vst v16  }
0xf3: {  	v39 =	vor.u32 $0x4, v3;
	v16 =	vld.idx.msk [tilespmem:v35+s10+$0x0], $0xffff;
	[tilespmem:s2+$0x7E00] =	vst v18  }
0xf4: {  	[tilespmem:s25+$0x8080] =	vst v8;
	v40 =	vor.u32 $0x4, v4;
	v9 =	vld.idx.msk [tilespmem:v36+s10+$0x0], $0xffff  }
0xf5: {  	v41 =	vor.u32 $0x4, v14;
	[tilespmem:s23+$0x8000] =	vst v7  }
0xf6: {  	v11 =	vld.idx.msk [tilespmem:v11+s10+$0x0], $0xffff;
	[tilespmem:s26+$0x7E80] =	vst v10  }
0xf7: {  	v42 =	vor.u32 $0x5, v1;
	v12 =	vld.idx.msk [tilespmem:v37+s10+$0x0], $0xffff;
	[tilespmem:s28+$0x7E80] =	vst v38  }
0xf8: {  	v43 =	vor.u32 $0x5, v2;
	v15 =	vld.idx.msk [tilespmem:v39+s10+$0x0], $0xffff;
	[tilespmem:s29+$0x7E80] =	vst v16  }
0xf9: {  	v44 =	vor.u32 $0x5, v3;
	v8 =	vld.idx.msk [tilespmem:v40+s10+$0x0], $0xffff;
	[tilespmem:s2+$0x7E80] =	vst v9  }
0xfa: {  	v45 =	vor.u32 $0x5, v4;
	[tilespmem:s22+$0x7F80] =	vst v5;
	v7 =	vld.idx.msk [tilespmem:v41+s10+$0x0], $0xffff  }
0xfb: {  	v46 =	vor.u32 $0x5, v14;
	v6 =	vld.idx.msk [tilespmem:v6+s10+$0x0], $0xffff;
	[tilespmem:s24+$0x7F00] =	vst v11  }
0xfc: {  	v47 =	vor.u32 $0x6, v0;
	v10 =	vld.idx.msk [tilespmem:v42+s10+$0x0], $0xffff;
	[tilespmem:s26+$0x7F00] =	vst v12  }
0xfd: {  	v48 =	vor.u32 $0x6, v1;
	v13 =	vld.idx.msk [tilespmem:v43+s10+$0x0], $0xffff;
	[tilespmem:s28+$0x7F00] =	vst v15  }
0xfe: {  	v49 =	vor.u32 $0x6, v2;
	v16 =	vld.idx.msk [tilespmem:v44+s10+$0x0], $0xffff;
	[tilespmem:s29+$0x7F00] =	vst v8  }
0xff: {  	v50 =	vor.u32 $0x6, v3;
	v5 =	vld.idx.msk [tilespmem:v45+s10+$0x0], $0xffff;
	[tilespmem:s2+$0x7F00] =	vst v7  }
0x100: {  	v51 =	vor.u32 $0x6, v4;
	[tilespmem:s23+$0x8080] =	vst v6;
	v7 =	vld.idx.msk [tilespmem:v46+s10+$0x0], $0xffff  }
0x101: {  	v53 =	vor.u32 $0x6, v14;
	v52 =	vld.idx.msk [tilespmem:v47+s10+$0x0], $0xffff;
	[tilespmem:s24+$0x7F80] =	vst v10  }
0x102: {  	v54 =	vor.u32 $0x7, v0;
	v55 =	vld.idx.msk [tilespmem:v48+s10+$0x0], $0xffff;
	[tilespmem:s26+$0x7F80] =	vst v13  }
0x103: {  	v56 =	vor.u32 $0x7, v1;
	v57 =	vld.idx.msk [tilespmem:v49+s10+$0x0], $0xffff;
	[tilespmem:s28+$0x7F80] =	vst v16  }
0x104: {  	v58 =	vor.u32 $0x7, v2;
	v8 =	vld.idx.msk [tilespmem:v50+s10+$0x0], $0xffff;
	[tilespmem:s29+$0x7F80] =	vst v5  }
0x105: {  	v59 =	vor.u32 $0x7, v3;
	v5 =	vld.idx.msk [tilespmem:v51+s10+$0x0], $0xffff;
	[tilespmem:s2+$0x7F80] =	vst v7  }
0x106: {  	v60 =	vor.u32 $0x7, v4;
	[tilespmem:s22+$0x8000] =	vst v52;
	v61 =	vld.idx.msk [tilespmem:v53+s10+$0x0], $0xffff  }
0x107: {  	v62 =	vor.u32 $0x7, v14;
	v0 =	vld.idx.msk [tilespmem:v54+s10+$0x0], $0xffff;
	[tilespmem:s24+$0x8000] =	vst v55  }
0x108: {  	v1 =	vld.idx.msk [tilespmem:v56+s10+$0x0], $0xffff;
	[tilespmem:s26+$0x8000] =	vst v57  }
0x109: {  	v2 =	vld.idx.msk [tilespmem:v58+s10+$0x0], $0xffff;
	[tilespmem:s28+$0x8000] =	vst v8  }
0x10a: {  	v3 =	vld.idx.msk [tilespmem:v59+s10+$0x0], $0xffff;
	[tilespmem:s29+$0x8000] =	vst v5  }
0x10b: {  	v4 =	vld.idx.msk [tilespmem:v60+s10+$0x0], $0xffff;
	[tilespmem:s2+$0x8000] =	vst v61  }
0x10c: {  	[tilespmem:s22+$0x8080] =	vst v0;
	v63 =	vld.idx.msk [tilespmem:v62+s10+$0x0], $0xffff  }
0x10d: {  	[tilespmem:s24+$0x8080] =	vst v1  }
0x10e: {  	s0 =	smul.u32 $0xC80, s21;
	[tilespmem:s26+$0x8080] =	vst v2  }
0x10f: {  	p0 =	sgt.u32 s21, $0x78F;
	[tilespmem:s28+$0x8080] =	vst v3  }
.Ltmp8:
0x110: {  	s31 =	sadd.s32 s3, s0;
	s0 =	sshrl.u32 @!p0 s0, $0x3;
	[tilespmem:s29+$0x8080] =	vst v4;
	(pc) =	sbr.rel .LBB2_10-.Ltmp8, $4  }
0x111: {  	s0 =	sadd.s32 @!p0 s1, s0;
	[tilespmem:s2+$0x8080] =	vst v63  }
0x112: {  	[hbm4b:s31+s4] =	stream.linear.scatter [tilespmem:s16], [sflag:$0x4], $0x6400, $0x38;
	[tilespmem:$0xE130] =	vst v63  }
0x113: {  	s21 =	simm.s32 @!p0 $0xC80;
	s0 =	sadd.s32 @!p0 $0x6400, s0;
	s2 =	simm.s32 @!p0 $0x0  }
0x114: {  	[tilespmem:s21], [sflag:$0x2] =	stream.linear.gather @!p0 [hbm4b:s0+s2], $0xC80, $0x38;
	[tilespmem:$0xE130] =	vst v63  }
.LBB2_12:
0x115: {  	_ =	sfence.sel $0x180000  }
0x116: {  	[bflag:$0x0] =	sbarrier.arrive $0xFFFF  }
0x117: {  	_ =	strace $0x90000047  }
0x118: {  	s0 =	stileid.u32;
	[bflag:$0x2] =	sbarrier.arrive $0xFFFF  }
0x119: {  	p0 =	sne.s32 s0, $0x0;
	s0 =	rddreg [dreg:$0x3]  }
0x11a: {  	s0 =	sadd.s32 @!p0 $0x100000, s0  }
0x11b: {  	[sflag:s0] =	ssyncadd.tile.s32 @!p0 $0x1;
	_ =	shalt  }
.Lfunc_end2:
_tile_overlayer_lowered:
.L_overlay_start_2:
0x11c: {  	(tag) =	ssettag $0x2  }
0x11d: {  	s0 =	rddreg [dreg:$0x0];
	s2 =	stileid.u32  }
0x11e: {  	s1 =	rddreg [dreg:$0x1];
	p0 =	sne.s32 s2, $0x0  }
0x11f: {  	s3 =	rddreg [dreg:$0x2];
	[bflag:$0x3] =	sbarrier.arrive $0xFFFF;
	s2 =	simm.s32 @!p0 $0x1C05  }
0x120: {  	[timem:s3], [sflag:s2] =	dma.local @!p0 [hbm:s0], s1  }
0x121: {  	s0 =	simm.s32 @!p0 $0x5  }
0x122: {  	_ =	swait.ge @!p0 [sflag:s0], s1  }
0x123: {  	s1 =	ssub.s32 @!p0 $0x0, s1;
	[sflag:s0] =	ssyncset.done @!p0 $0x0  }
0x124: {  	[sflag:s0] =	ssyncadd.s32 @!p0 s1  }
0x125: {  	[bflag:$0x3] =	sbarrier.arrive $0xFFFF  }
0x126: {  	_ =	shalt  }

</sc_bundles>
